<compile_context>
chip_gen: v7x
topology: tpu7x:2x2x1
jax: 0.10.2.dev20260603
libtpu: 0.0.44.dev20260713+nightly
codegen_flags: <defaults>
</compile_context>

<pallas_src>
import jax
import jax.numpy as jnp
from jax.experimental import pallas as pl
from jax.experimental.pallas import tpu as pltpu
from jax.experimental.pallas import tpu_sc as plsc

_N_EMB = 1000
_D = 128
_P = 10
_V = 1000
_B = 4096

_GATHER_WINDOW = 128
_BLK = 256


def _sc_gather(emb_table, idx2d):
    mesh = plsc.VectorSubcoreMesh(core_axis_name="core", subcore_axis_name="subcore")

    @pl.kernel(out_type=jax.ShapeDtypeStruct((_B, _D), emb_table.dtype), mesh=mesh)
    def gather_kernel(tbl_hbm, i_hbm, o_hbm):
        def body(i_vmem, o_vmem):
            pltpu.sync_copy(tbl_hbm.at[i_vmem.at[0]], o_vmem)

        pltpu.emit_pipeline(
            body,
            grid=(_B // _GATHER_WINDOW,),
            in_specs=[pl.BlockSpec((1, _GATHER_WINDOW), index_map=lambda i: (0, i))],
            out_specs=[pl.BlockSpec((_GATHER_WINDOW, _D), index_map=lambda i: (i, 0))],
            core_axis_name=("core", "subcore"),
            dimension_semantics=(pltpu.PARALLEL,),
        )(i_hbm, o_hbm)

    return gather_kernel(emb_table, idx2d)


def _tc_body(emb_ref, w_ref, b_ref, out_ref):
    e = emb_ref[...].astype(jnp.bfloat16)
    for p in range(_P):
        logits = jax.lax.dot_general(
            w_ref[p], e,
            (((1,), (1,)), ((), ())),
            preferred_element_type=jnp.float32,
        )
        ex = jnp.exp(logits + b_ref[:, p : p + 1])
        s = jnp.sum(ex, axis=0, keepdims=True)
        out_ref[p] = ex * (1.0 / s)


def _tc_dense(emb_g, w_r, b_c):
    return pl.pallas_call(
        _tc_body,
        grid=(_B // _BLK,),
        in_specs=[
            pl.BlockSpec((_BLK, _D), lambda i: (i, 0)),
            pl.BlockSpec((_P, _V, _D), lambda i: (0, 0, 0)),
            pl.BlockSpec((_V, _P), lambda i: (0, 0)),
        ],
        out_specs=pl.BlockSpec((_P, _V, _BLK), lambda i: (0, 0, i)),
        out_shape=jax.ShapeDtypeStruct((_P, _V, _B), jnp.float32),
        compiler_params=pltpu.CompilerParams(
            dimension_semantics=("parallel",),
        ),
    )(emb_g, w_r, b_c)


def kernel(X, emb_table, W, b):
    idx2d = X.astype(jnp.int32).reshape(1, _B)
    emb_g = _sc_gather(emb_table, idx2d)
    w_r = W.reshape(_P, _V, _D).astype(jnp.bfloat16)
    b_c = b.reshape(_P, _V).T
    out_t = _tc_dense(emb_g, w_r, b_c)
    return jnp.transpose(out_t, (2, 0, 1))

# --- scband reference (transcript-rebuilt; emitter-appended) ---
"""Pipeline reference for scband-word2vec-skipgram-56547539419890 (READ-ONLY COPY).

The authoritative reference and input builder live on the scoring server;
editing this copy changes nothing except your own understanding.
"""

import jax, jax.numpy as jnp
import numpy as np

NUM_EMBEDDINGS = 1000
EMBEDDING_DIM = 128
PREDICTIONS = 10
BATCH = 4096


def setup_inputs(seed: int = 0) -> dict:
    key = jax.random.key(seed)
    k1, k2, k3, k4 = jax.random.split(key, 4)
    X = jax.random.randint(k1, (BATCH,), 0, NUM_EMBEDDINGS, dtype=jnp.int64 if jax.config.jax_enable_x64 else jnp.int32)
    emb_table = jax.random.normal(k2, (NUM_EMBEDDINGS, EMBEDDING_DIM), dtype=jnp.float32)
    # nn.Linear(embedding_dim, num_embeddings * predictions): W [out, in], b [out]
    bound = 1.0 / np.sqrt(EMBEDDING_DIM)
    W = jax.random.uniform(k3, (NUM_EMBEDDINGS * PREDICTIONS, EMBEDDING_DIM), minval=-bound, maxval=bound, dtype=jnp.float32)
    b = jax.random.uniform(k4, (NUM_EMBEDDINGS * PREDICTIONS,), minval=-bound, maxval=bound, dtype=jnp.float32)
    return {"X": X, "emb_table": emb_table, "W": W, "b": b}


def reference(X, emb_table, W, b):
    # embedding lookup (gather)
    embedding = jnp.take(emb_table, X, axis=0)              # [B, d]
    # linear: x @ W.T + b
    out = embedding @ W.T + b                                # [B, vocab*predictions]
    out = out.reshape(X.shape[0], PREDICTIONS, -1)           # [B, predictions, vocab]
    return jax.nn.softmax(out, axis=-1)

if __name__ == "__main__":
    import jax
    _d = setup_inputs()
    print(jax.jit(kernel)(*tuple(_d.values())))

</pallas_src>

<mosaic_0001>
#map = affine_map<(d0, d1) -> (0, 0)>
module attributes {stable_mosaic.version = 14 : i64} {
  func.func @gather_kernel(%arg0: i32, %arg1: i32, %arg2: memref<1000x128xf32, #tpu.memory_space<hbm>>, %arg3: memref<1x4096xi32, #tpu.memory_space<hbm>>, %arg4: memref<4096x128xf32, #tpu.memory_space<hbm>>) attributes {dimension_semantics = [#tpu.dimension_semantics<core_parallel>, #tpu.dimension_semantics<subcore_parallel>], iteration_bounds = array<i64: 2, 16>, scalar_prefetch = 0 : i64, scratch_operands = 0 : i64, tpu.core_type = #tpu.core_type<sc_vector_subcore>, window_params = [{transform_indices = #map}, {transform_indices = #map}, {transform_indices = #map}]} {
    %mul3A = arith.constant 1 : i32
    %mul3A_0 = arith.muli %arg1, %mul3A : i32
    %add3A = arith.constant 0 : i32
    %add3A_1 = arith.addi %add3A, %mul3A_0 : i32
    %mul3A_2 = arith.constant 16 : i32
    %mul3A_3 = arith.muli %arg0, %mul3A_2 : i32
    %add3A_4 = arith.addi %add3A_1, %mul3A_3 : i32
    %mul3A_5 = arith.constant 1 : i32
    %mul3A_6 = arith.muli %add3A_4, %mul3A_5 : i32
    "tpu.region"() ({
      %run_scoped3A = memref.alloca() : memref<2x1x128xi32, #tpu.memory_space<vmem>>
      %run_scoped3A_7 = tpu.sem_alloc : memref<2x!tpu.dma_semaphore, #tpu.memory_space<semaphore_mem>>
      %run_scoped3A_8 = memref.alloca() : memref<2x128x128xf32, #tpu.memory_space<vmem>>
      %run_scoped3A_9 = tpu.sem_alloc : memref<2x!tpu.dma_semaphore, #tpu.memory_space<semaphore_mem>>
      %add3A_10 = arith.constant 0 : i32
      %add3A_11 = arith.addi %add3A_10, %mul3A_6 : i32
      %select_n3A = arith.constant true
      %select_n3A_12 = arith.constant 0 : i32
      %select_n3A_13 = arith.constant -1 : i32
      %select_n3A_14 = arith.select %select_n3A, %select_n3A_13, %select_n3A_12 : i32
      %eq3A = arith.constant -1 : i32
      %eq3A_15 = arith.cmpi eq, %select_n3A_14, %eq3A : i32
      %select_n3A_16 = arith.constant 0 : i32
      %select_n3A_17 = arith.select %eq3A_15, %select_n3A_16, %select_n3A_14 : i32
      %add3A_18 = arith.constant 0 : i32
      %add3A_19 = arith.addi %add3A_18, %mul3A_6 : i32
      %select_n3A_20 = arith.constant true
      %select_n3A_21 = arith.constant 0 : i32
      %select_n3A_22 = arith.constant 1 : i32
      %select_n3A_23 = arith.select %select_n3A_20, %select_n3A_22, %select_n3A_21 : i32
      %eq3A_24 = arith.constant 1 : i32
      %eq3A_25 = arith.cmpi eq, %select_n3A_23, %eq3A_24 : i32
      %select_n3A_26 = arith.constant 0 : i32
      %select_n3A_27 = arith.select %eq3A_25, %select_n3A_26, %select_n3A_23 : i32
      %add3A_28 = arith.constant 0 : i32
      %add3A_29 = arith.addi %add3A_28, %mul3A_6 : i32
      %select_n3A_30 = arith.constant true
      %select_n3A_31 = arith.constant 0 : i32
      %select_n3A_32 = arith.constant 1 : i32
      %select_n3A_33 = arith.select %select_n3A_30, %select_n3A_32, %select_n3A_31 : i32
      %eq3A_34 = arith.constant 1 : i32
      %eq3A_35 = arith.cmpi eq, %select_n3A_33, %eq3A_34 : i32
      %select_n3A_36 = arith.constant 0 : i32
      %select_n3A_37 = arith.select %eq3A_35, %select_n3A_36, %select_n3A_33 : i32
      %add3A_38 = arith.constant 0 : i32
      %add3A_39 = arith.addi %add3A_38, %mul3A_6 : i32
      "tpu.trace_start"() <{level = 10 : i32, message = "ep_initialize_0"}> : () -> ()
      %rem3A = arith.constant 0 : i32
      %rem3A_40 = arith.constant 2 : i32
      %rem3A_41 = arith.remui %rem3A, %rem3A_40 : i32
      %mul3A_42 = arith.constant 128 : i32
      %mul3A_43 = arith.muli %mul3A_42, %add3A_11 : i32
      %dma_start3A = arith.constant 0 : i32
      %dma_start3A_44 = arith.constant 0 : i32
      %dma_start3A_45 = tpu.memref_slice %run_scoped3A[%rem3A_41, %dma_start3A, %dma_start3A_44] : memref<2x1x128xi32, #tpu.memory_space<vmem>> -> memref<1x1x128xi32, #tpu.memory_space<vmem>>
      %dma_start3A_46 = tpu.memref_squeeze %dma_start3A_45 : memref<1x1x128xi32, #tpu.memory_space<vmem>> -> memref<1x128xi32, #tpu.memory_space<vmem>>
      %dma_start3A_47 = arith.constant 0 : i32
      %dma_start3A_48 = tpu.memref_slice %arg3[%dma_start3A_47, %mul3A_43] : memref<1x4096xi32, #tpu.memory_space<hbm>> -> memref<1x128xi32, #tpu.memory_space<hbm>>
      %dma_start3A_49 = tpu.memref_slice %run_scoped3A_7[%rem3A_41] : memref<2x!tpu.dma_semaphore, #tpu.memory_space<semaphore_mem>> -> memref<1x!tpu.dma_semaphore, #tpu.memory_space<semaphore_mem>>
      %dma_start3A_50 = tpu.memref_squeeze %dma_start3A_49 : memref<1x!tpu.dma_semaphore, #tpu.memory_space<semaphore_mem>> -> memref<!tpu.dma_semaphore, #tpu.memory_space<semaphore_mem>>
      %dma_start3A_51 = arith.constant 0 : i32
      %dma_start3A_52 = arith.constant 0 : i32
      %dma_start3A_53 = tpu.memref_slice %run_scoped3A[%rem3A_41, %dma_start3A_51, %dma_start3A_52] : memref<2x1x128xi32, #tpu.memory_space<vmem>> -> memref<1x1x128xi32, #tpu.memory_space<vmem>>
      %dma_start3A_54 = tpu.memref_squeeze %dma_start3A_53 : memref<1x1x128xi32, #tpu.memory_space<vmem>> -> memref<1x128xi32, #tpu.memory_space<vmem>>
      %dma_start3A_55 = arith.constant 0 : i32
      %dma_start3A_56 = tpu.memref_slice %arg3[%dma_start3A_55, %mul3A_43] : memref<1x4096xi32, #tpu.memory_space<hbm>> -> memref<1x128xi32, #tpu.memory_space<hbm>>
      tpu.enqueue_dma source(%dma_start3A_56 : memref<1x128xi32, #tpu.memory_space<hbm>>) target(%dma_start3A_54 : memref<1x128xi32, #tpu.memory_space<vmem>>) target_semaphore(%dma_start3A_50 : memref<!tpu.dma_semaphore, #tpu.memory_space<semaphore_mem>>)
      %add3A_57 = arith.constant 0 : i32
      %add3A_58 = arith.constant 1 : i32
      %add3A_59 = arith.addi %add3A_57, %add3A_58 : i32
      %select_n3A_60 = arith.constant true
      %select_n3A_61 = arith.constant 0 : i32
      %select_n3A_62 = arith.select %select_n3A_60, %add3A_59, %select_n3A_61 : i32
      "tpu.trace_stop"() : () -> ()
      %scan3A = arith.constant 0 : i32
      %scan3A_63 = arith.constant 0 : i32
      %scan3A_64 = arith.constant 0 : i32
      %scan3A_65 = arith.constant 0 : i32
      %scan3A_66 = arith.constant 0 : i32
      %eq3A_67 = arith.constant 0 : i32
      %eq3A_68 = arith.cmpi eq, %scan3A_66, %eq3A_67 : i32
      %eq3A_69 = arith.constant 0 : i32
      %eq3A_70 = arith.cmpi eq, %scan3A_66, %eq3A_69 : i32
      %add3A_71 = arith.constant 0 : i32
      %add3A_72 = arith.addi %add3A_71, %mul3A_6 : i32
      %select_n3A_73 = arith.constant true
      %select_n3A_74 = arith.constant 0 : i32
      %select_n3A_75 = arith.constant -1 : i32
      %select_n3A_76 = arith.select %select_n3A_73, %select_n3A_75, %select_n3A_74 : i32
      %eq3A_77 = arith.constant -1 : i32
      %eq3A_78 = arith.cmpi eq, %select_n3A_76, %eq3A_77 : i32
      %select_n3A_79 = arith.constant 0 : i32
      %select_n3A_80 = arith.select %eq3A_78, %select_n3A_79, %select_n3A_76 : i32
      %add3A_81 = arith.constant 0 : i32
      %add3A_82 = arith.addi %add3A_81, %mul3A_6 : i32
      %select_n3A_83 = arith.constant true
      %select_n3A_84 = arith.constant 0 : i32
      %select_n3A_85 = arith.constant 1 : i32
      %select_n3A_86 = arith.select %select_n3A_83, %select_n3A_85, %select_n3A_84 : i32
      %eq3A_87 = arith.constant 1 : i32
      %eq3A_88 = arith.cmpi eq, %select_n3A_86, %eq3A_87 : i32
      %select_n3A_89 = arith.constant 0 : i32
      %select_n3A_90 = arith.select %eq3A_88, %select_n3A_89, %select_n3A_86 : i32
      %add3A_91 = arith.constant 0 : i32
      %add3A_92 = arith.addi %add3A_91, %mul3A_6 : i32
      %select_n3A_93 = arith.constant true
      %select_n3A_94 = arith.constant 0 : i32
      %select_n3A_95 = arith.constant 1 : i32
      %select_n3A_96 = arith.select %select_n3A_93, %select_n3A_95, %select_n3A_94 : i32
      %eq3A_97 = arith.constant 1 : i32
      %eq3A_98 = arith.cmpi eq, %select_n3A_96, %eq3A_97 : i32
      %select_n3A_99 = arith.constant 0 : i32
      %select_n3A_100 = arith.select %eq3A_98, %select_n3A_99, %select_n3A_96 : i32
      %add3A_101 = arith.constant 0 : i32
      %add3A_102 = arith.addi %add3A_101, %mul3A_6 : i32
      %ne3A = arith.cmpi ne, %add3A_72, %add3A_92 : i32
      %or3A = arith.constant false
      %or3A_103 = arith.ori %or3A, %ne3A : i1
      %ge3A = arith.constant 0 : i32
      %ge3A_104 = arith.cmpi sge, %scan3A_66, %ge3A : i32
      %not3A = arith.constant true
      %not3A_105 = arith.xori %ge3A_104, %not3A : i1
      %and3A = arith.andi %or3A_103, %not3A_105 : i1
      %convert_element_type3A = arith.extui %and3A : i1 to i32
      %cond3A = arith.constant 0 : i32
      %cond3A_106 = arith.cmpi ne, %convert_element_type3A, %cond3A : i32
      scf.if %cond3A_106 {
        "tpu.trace_start"() <{level = 10 : i32, message = "ep_copy_in"}> : () -> ()
        %rem3A_266 = arith.constant 2 : i32
        %rem3A_267 = arith.remui %select_n3A_62, %rem3A_266 : i32
        %mul3A_268 = arith.constant 128 : i32
        %mul3A_269 = arith.muli %mul3A_268, %add3A_92 : i32
        %dma_start3A_270 = arith.constant 0 : i32
        %dma_start3A_271 = arith.constant 0 : i32
        %dma_start3A_272 = tpu.memref_slice %run_scoped3A[%rem3A_267, %dma_start3A_270, %dma_start3A_271] : memref<2x1x128xi32, #tpu.memory_space<vmem>> -> memref<1x1x128xi32, #tpu.memory_space<vmem>>
        %dma_start3A_273 = tpu.memref_squeeze %dma_start3A_272 : memref<1x1x128xi32, #tpu.memory_space<vmem>> -> memref<1x128xi32, #tpu.memory_space<vmem>>
        %dma_start3A_274 = arith.constant 0 : i32
        %dma_start3A_275 = tpu.memref_slice %arg3[%dma_start3A_274, %mul3A_269] : memref<1x4096xi32, #tpu.memory_space<hbm>> -> memref<1x128xi32, #tpu.memory_space<hbm>>
        %dma_start3A_276 = tpu.memref_slice %run_scoped3A_7[%rem3A_267] : memref<2x!tpu.dma_semaphore, #tpu.memory_space<semaphore_mem>> -> memref<1x!tpu.dma_semaphore, #tpu.memory_space<semaphore_mem>>
        %dma_start3A_277 = tpu.memref_squeeze %dma_start3A_276 : memref<1x!tpu.dma_semaphore, #tpu.memory_space<semaphore_mem>> -> memref<!tpu.dma_semaphore, #tpu.memory_space<semaphore_mem>>
        %dma_start3A_278 = arith.constant 0 : i32
        %dma_start3A_279 = arith.constant 0 : i32
        %dma_start3A_280 = tpu.memref_slice %run_scoped3A[%rem3A_267, %dma_start3A_278, %dma_start3A_279] : memref<2x1x128xi32, #tpu.memory_space<vmem>> -> memref<1x1x128xi32, #tpu.memory_space<vmem>>
        %dma_start3A_281 = tpu.memref_squeeze %dma_start3A_280 : memref<1x1x128xi32, #tpu.memory_space<vmem>> -> memref<1x128xi32, #tpu.memory_space<vmem>>
        %dma_start3A_282 = arith.constant 0 : i32
        %dma_start3A_283 = tpu.memref_slice %arg3[%dma_start3A_282, %mul3A_269] : memref<1x4096xi32, #tpu.memory_space<hbm>> -> memref<1x128xi32, #tpu.memory_space<hbm>>
        tpu.enqueue_dma source(%dma_start3A_283 : memref<1x128xi32, #tpu.memory_space<hbm>>) target(%dma_start3A_281 : memref<1x128xi32, #tpu.memory_space<vmem>>) target_semaphore(%dma_start3A_277 : memref<!tpu.dma_semaphore, #tpu.memory_space<semaphore_mem>>)
        "tpu.trace_stop"() : () -> ()
      } else {
      }
      %and3A_107 = arith.constant true
      %and3A_108 = arith.andi %and3A, %and3A_107 : i1
      %add3A_109 = arith.constant 1 : i32
      %add3A_110 = arith.addi %select_n3A_62, %add3A_109 : i32
      %select_n3A_111 = arith.select %and3A_108, %add3A_110, %select_n3A_62 : i32
      %ne3A_112 = arith.cmpi ne, %add3A_72, %add3A_92 : i32
      %or3A_113 = arith.constant false
      %or3A_114 = arith.ori %or3A_113, %ne3A_112 : i1
      %or3A_115 = arith.constant false
      %or3A_116 = arith.ori %or3A_114, %or3A_115 : i1
      %ge3A_117 = arith.constant 0 : i32
      %ge3A_118 = arith.cmpi sge, %scan3A_66, %ge3A_117 : i32
      %not3A_119 = arith.constant true
      %not3A_120 = arith.xori %ge3A_118, %not3A_119 : i1
      %and3A_121 = arith.andi %or3A_116, %not3A_120 : i1
      %ne3A_122 = arith.cmpi ne, %add3A_72, %add3A_82 : i32
      %or3A_123 = arith.constant false
      %or3A_124 = arith.ori %or3A_123, %ne3A_122 : i1
      %or3A_125 = arith.ori %or3A_124, %eq3A_68 : i1
      %convert_element_type3A_126 = arith.extui %or3A_125 : i1 to i32
      %cond3A_127 = arith.constant 0 : i32
      %cond3A_128 = arith.cmpi ne, %convert_element_type3A_126, %cond3A_127 : i32
      scf.if %cond3A_128 {
        "tpu.trace_start"() <{level = 10 : i32, message = "ep_wait_in"}> : () -> ()
        %mul3A_266 = arith.constant 128 : i32
        %mul3A_267 = arith.muli %mul3A_266, %add3A_72 : i32
        %rem3A_268 = arith.constant 2 : i32
        %rem3A_269 = arith.remui %scan3A, %rem3A_268 : i32
        %dma_wait3A_270 = arith.constant 0 : i32
        %dma_wait3A_271 = arith.constant 0 : i32
        %dma_wait3A_272 = tpu.memref_slice %run_scoped3A[%rem3A_269, %dma_wait3A_270, %dma_wait3A_271] : memref<2x1x128xi32, #tpu.memory_space<vmem>> -> memref<1x1x128xi32, #tpu.memory_space<vmem>>
        %dma_wait3A_273 = tpu.memref_squeeze %dma_wait3A_272 : memref<1x1x128xi32, #tpu.memory_space<vmem>> -> memref<1x128xi32, #tpu.memory_space<vmem>>
        %dma_wait3A_274 = arith.constant 0 : i32
        %dma_wait3A_275 = tpu.memref_slice %arg3[%dma_wait3A_274, %mul3A_267] : memref<1x4096xi32, #tpu.memory_space<hbm>> -> memref<1x128xi32, #tpu.memory_space<hbm>>
        %dma_wait3A_276 = tpu.memref_slice %run_scoped3A_7[%rem3A_269] : memref<2x!tpu.dma_semaphore, #tpu.memory_space<semaphore_mem>> -> memref<1x!tpu.dma_semaphore, #tpu.memory_space<semaphore_mem>>
        %dma_wait3A_277 = tpu.memref_squeeze %dma_wait3A_276 : memref<1x!tpu.dma_semaphore, #tpu.memory_space<semaphore_mem>> -> memref<!tpu.dma_semaphore, #tpu.memory_space<semaphore_mem>>
        %dma_wait3A_278 = arith.constant 0 : i32
        %dma_wait3A_279 = arith.constant 0 : i32
        %dma_wait3A_280 = tpu.memref_slice %run_scoped3A[%rem3A_269, %dma_wait3A_278, %dma_wait3A_279] : memref<2x1x128xi32, #tpu.memory_space<vmem>> -> memref<1x1x128xi32, #tpu.memory_space<vmem>>
        %dma_wait3A_281 = tpu.memref_squeeze %dma_wait3A_280 : memref<1x1x128xi32, #tpu.memory_space<vmem>> -> memref<1x128xi32, #tpu.memory_space<vmem>>
        %dma_wait3A_282 = arith.constant 0 : i32
        %dma_wait3A_283 = tpu.memref_slice %arg3[%dma_wait3A_282, %mul3A_267] : memref<1x4096xi32, #tpu.memory_space<hbm>> -> memref<1x128xi32, #tpu.memory_space<hbm>>
        tpu.wait_dma2 semaphore(%dma_wait3A_277 : memref<!tpu.dma_semaphore, #tpu.memory_space<semaphore_mem>>) src(%dma_wait3A_283 : memref<1x128xi32, #tpu.memory_space<hbm>>) dst(%dma_wait3A_281 : memref<1x128xi32, #tpu.memory_space<vmem>>)
        "tpu.trace_stop"() : () -> ()
      } else {
      }
      %ne3A_129 = arith.cmpi ne, %add3A_72, %add3A_82 : i32
      %or3A_130 = arith.constant false
      %or3A_131 = arith.ori %or3A_130, %ne3A_129 : i1
      %or3A_132 = arith.constant false
      %or3A_133 = arith.ori %or3A_131, %or3A_132 : i1
      %or3A_134 = arith.ori %or3A_133, %eq3A_68 : i1
      %convert_element_type3A_135 = arith.extui %or3A_134 : i1 to i32
      %cond3A_136 = arith.constant 0 : i32
      %cond3A_137 = arith.cmpi ne, %convert_element_type3A_135, %cond3A_136 : i32
      scf.if %cond3A_137 {
      } else {
      }
      %rem3A_138 = arith.constant 2 : i32
      %rem3A_139 = arith.remui %scan3A, %rem3A_138 : i32
      %rem3A_140 = arith.constant 2 : i32
      %rem3A_141 = arith.remui %scan3A_63, %rem3A_140 : i32
      %run_scoped3A_142 = arith.constant 0 : i32
      "tpu.trace_start"() <{level = 10 : i32, message = "ep_run_kernel"}> : () -> ()
      "tpu.region"() ({
        %run_scoped3A_266 = tpu.sem_alloc : memref<!tpu.dma_semaphore, #tpu.memory_space<semaphore_mem>>
        %dma_start3A_267 = arith.constant 0 : i32
        %dma_start3A_268 = arith.constant 0 : i32
        %dma_start3A_269 = tpu.memref_slice %run_scoped3A_8[%rem3A_141, %dma_start3A_267, %dma_start3A_268] : memref<2x128x128xf32, #tpu.memory_space<vmem>> -> memref<1x128x128xf32, #tpu.memory_space<vmem>>
        %dma_start3A_270 = tpu.memref_squeeze %dma_start3A_269 : memref<1x128x128xf32, #tpu.memory_space<vmem>> -> memref<128x128xf32, #tpu.memory_space<vmem>>
        %dma_start3A_271 = arith.constant 0 : i32
        %dma_start3A_272 = arith.constant 0 : i32
        %dma_start3A_273 = tpu.memref_slice %run_scoped3A[%rem3A_139, %dma_start3A_271, %dma_start3A_272] : memref<2x1x128xi32, #tpu.memory_space<vmem>> -> memref<1x1x128xi32, #tpu.memory_space<vmem>>
        %dma_start3A_274 = tpu.memref_squeeze %dma_start3A_273 : memref<1x1x128xi32, #tpu.memory_space<vmem>> -> memref<1x128xi32, #tpu.memory_space<vmem>>
        %dma_start3A_275 = arith.constant 0 : i32
        %dma_start3A_276 = tpu.memref_slice %dma_start3A_274[%run_scoped3A_142, %dma_start3A_275] : memref<1x128xi32, #tpu.memory_space<vmem>> -> memref<1x128xi32, #tpu.memory_space<vmem>>
        %dma_start3A_277 = tpu.memref_squeeze %dma_start3A_276 : memref<1x128xi32, #tpu.memory_space<vmem>> -> memref<128xi32, #tpu.memory_space<vmem>>
        %dma_start3A_278 = arith.constant 0 : i32
        %dma_start3A_279 = arith.constant 0 : i32
        %dma_start3A_280 = tpu.memref_slice %arg2[%dma_start3A_278, %dma_start3A_279] : memref<1000x128xf32, #tpu.memory_space<hbm>> -> memref<1000x128xf32, #tpu.memory_space<hbm>>
        tpu.enqueue_indirect_dma source(%dma_start3A_280 : memref<1000x128xf32, #tpu.memory_space<hbm>>) target(%dma_start3A_270 : memref<128x128xf32, #tpu.memory_space<vmem>>) offsets(%dma_start3A_277 : memref<128xi32, #tpu.memory_space<vmem>>) semaphore(%run_scoped3A_266 : memref<!tpu.dma_semaphore, #tpu.memory_space<semaphore_mem>>)
        %dma_wait3A_281 = arith.constant 0 : i32
        %dma_wait3A_282 = arith.constant 0 : i32
        %dma_wait3A_283 = tpu.memref_slice %run_scoped3A_8[%rem3A_141, %dma_wait3A_281, %dma_wait3A_282] : memref<2x128x128xf32, #tpu.memory_space<vmem>> -> memref<1x128x128xf32, #tpu.memory_space<vmem>>
        %dma_wait3A_284 = tpu.memref_squeeze %dma_wait3A_283 : memref<1x128x128xf32, #tpu.memory_space<vmem>> -> memref<128x128xf32, #tpu.memory_space<vmem>>
        %dma_wait3A_285 = arith.constant 0 : i32
        %dma_wait3A_286 = arith.constant 0 : i32
        %dma_wait3A_287 = tpu.memref_slice %run_scoped3A[%rem3A_139, %dma_wait3A_285, %dma_wait3A_286] : memref<2x1x128xi32, #tpu.memory_space<vmem>> -> memref<1x1x128xi32, #tpu.memory_space<vmem>>
        %dma_wait3A_288 = tpu.memref_squeeze %dma_wait3A_287 : memref<1x1x128xi32, #tpu.memory_space<vmem>> -> memref<1x128xi32, #tpu.memory_space<vmem>>
        %dma_wait3A_289 = arith.constant 0 : i32
        %dma_wait3A_290 = tpu.memref_slice %dma_wait3A_288[%run_scoped3A_142, %dma_wait3A_289] : memref<1x128xi32, #tpu.memory_space<vmem>> -> memref<1x128xi32, #tpu.memory_space<vmem>>
        %dma_wait3A_291 = tpu.memref_squeeze %dma_wait3A_290 : memref<1x128xi32, #tpu.memory_space<vmem>> -> memref<128xi32, #tpu.memory_space<vmem>>
        %dma_wait3A_292 = arith.constant 0 : i32
        %dma_wait3A_293 = arith.constant 0 : i32
        %dma_wait3A_294 = tpu.memref_slice %arg2[%dma_wait3A_292, %dma_wait3A_293] : memref<1000x128xf32, #tpu.memory_space<hbm>> -> memref<1000x128xf32, #tpu.memory_space<hbm>>
        tpu.wait_indirect_dma semaphore(%run_scoped3A_266 : memref<!tpu.dma_semaphore, #tpu.memory_space<semaphore_mem>>) src(%dma_wait3A_294 : memref<1000x128xf32, #tpu.memory_space<hbm>>) dst(%dma_wait3A_284 : memref<128x128xf32, #tpu.memory_space<vmem>>)
        tpu.yield
      }) : () -> ()
      "tpu.trace_stop"() : () -> ()
      %ne3A_143 = arith.cmpi ne, %add3A_72, %add3A_92 : i32
      %or3A_144 = arith.constant false
      %or3A_145 = arith.ori %or3A_144, %ne3A_143 : i1
      %or3A_146 = arith.ori %or3A_145, %eq3A_70 : i1
      %convert_element_type3A_147 = arith.extui %or3A_146 : i1 to i32
      %cond3A_148 = arith.constant 0 : i32
      %cond3A_149 = arith.cmpi ne, %convert_element_type3A_147, %cond3A_148 : i32
      scf.if %cond3A_149 {
      } else {
      }
      %and3A_150 = arith.constant false
      %and3A_151 = arith.andi %or3A_146, %and3A_150 : i1
      %ne3A_152 = arith.cmpi ne, %add3A_72, %add3A_92 : i32
      %or3A_153 = arith.constant false
      %or3A_154 = arith.ori %or3A_153, %ne3A_152 : i1
      %or3A_155 = arith.constant false
      %or3A_156 = arith.ori %or3A_154, %or3A_155 : i1
      %or3A_157 = arith.ori %or3A_156, %eq3A_70 : i1
      %convert_element_type3A_158 = arith.extui %or3A_157 : i1 to i32
      %cond3A_159 = arith.constant 0 : i32
      %cond3A_160 = arith.cmpi ne, %convert_element_type3A_158, %cond3A_159 : i32
      scf.if %cond3A_160 {
        "tpu.trace_start"() <{level = 10 : i32, message = "ep_copy_out"}> : () -> ()
        %rem3A_266 = arith.constant 2 : i32
        %rem3A_267 = arith.remui %scan3A_63, %rem3A_266 : i32
        %mul3A_268 = arith.constant 128 : i32
        %mul3A_269 = arith.muli %mul3A_268, %add3A_72 : i32
        %dma_start3A_270 = arith.constant 0 : i32
        %dma_start3A_271 = arith.constant 0 : i32
        %dma_start3A_272 = tpu.memref_slice %run_scoped3A_8[%rem3A_267, %dma_start3A_270, %dma_start3A_271] : memref<2x128x128xf32, #tpu.memory_space<vmem>> -> memref<1x128x128xf32, #tpu.memory_space<vmem>>
        %dma_start3A_273 = tpu.memref_squeeze %dma_start3A_272 : memref<1x128x128xf32, #tpu.memory_space<vmem>> -> memref<128x128xf32, #tpu.memory_space<vmem>>
        %dma_start3A_274 = arith.constant 0 : i32
        %dma_start3A_275 = tpu.memref_slice %arg4[%mul3A_269, %dma_start3A_274] : memref<4096x128xf32, #tpu.memory_space<hbm>> -> memref<128x128xf32, #tpu.memory_space<hbm>>
        %dma_start3A_276 = tpu.memref_slice %run_scoped3A_9[%rem3A_267] : memref<2x!tpu.dma_semaphore, #tpu.memory_space<semaphore_mem>> -> memref<1x!tpu.dma_semaphore, #tpu.memory_space<semaphore_mem>>
        %dma_start3A_277 = tpu.memref_squeeze %dma_start3A_276 : memref<1x!tpu.dma_semaphore, #tpu.memory_space<semaphore_mem>> -> memref<!tpu.dma_semaphore, #tpu.memory_space<semaphore_mem>>
        %dma_start3A_278 = arith.constant 0 : i32
        %dma_start3A_279 = tpu.memref_slice %arg4[%mul3A_269, %dma_start3A_278] : memref<4096x128xf32, #tpu.memory_space<hbm>> -> memref<128x128xf32, #tpu.memory_space<hbm>>
        %dma_start3A_280 = arith.constant 0 : i32
        %dma_start3A_281 = arith.constant 0 : i32
        %dma_start3A_282 = tpu.memref_slice %run_scoped3A_8[%rem3A_267, %dma_start3A_280, %dma_start3A_281] : memref<2x128x128xf32, #tpu.memory_space<vmem>> -> memref<1x128x128xf32, #tpu.memory_space<vmem>>
        %dma_start3A_283 = tpu.memref_squeeze %dma_start3A_282 : memref<1x128x128xf32, #tpu.memory_space<vmem>> -> memref<128x128xf32, #tpu.memory_space<vmem>>
        tpu.enqueue_dma source(%dma_start3A_283 : memref<128x128xf32, #tpu.memory_space<vmem>>) target(%dma_start3A_279 : memref<128x128xf32, #tpu.memory_space<hbm>>) target_semaphore(%dma_start3A_277 : memref<!tpu.dma_semaphore, #tpu.memory_space<semaphore_mem>>)
        "tpu.trace_stop"() : () -> ()
      } else {
      }
      %and3A_161 = arith.constant true
      %and3A_162 = arith.andi %or3A_157, %and3A_161 : i1
      %add3A_163 = arith.constant 1 : i32
      %add3A_164 = arith.addi %scan3A_63, %add3A_163 : i32
      %select_n3A_165 = arith.select %and3A_162, %add3A_164, %scan3A_63 : i32
      %ne3A_166 = arith.cmpi ne, %add3A_72, %add3A_82 : i32
      %or3A_167 = arith.constant false
      %or3A_168 = arith.ori %or3A_167, %ne3A_166 : i1
      %not3A_169 = arith.constant true
      %not3A_170 = arith.xori %eq3A_68, %not3A_169 : i1
      %and3A_171 = arith.andi %or3A_168, %not3A_170 : i1
      %convert_element_type3A_172 = arith.extui %and3A_171 : i1 to i32
      %cond3A_173 = arith.constant 0 : i32
      %cond3A_174 = arith.cmpi ne, %convert_element_type3A_172, %cond3A_173 : i32
      scf.if %cond3A_174 {
      } else {
      }
      %and3A_175 = arith.constant false
      %and3A_176 = arith.andi %and3A_171, %and3A_175 : i1
      %ne3A_177 = arith.cmpi ne, %add3A_72, %add3A_82 : i32
      %or3A_178 = arith.constant false
      %or3A_179 = arith.ori %or3A_178, %ne3A_177 : i1
      %or3A_180 = arith.constant false
      %or3A_181 = arith.ori %or3A_179, %or3A_180 : i1
      %not3A_182 = arith.constant true
      %not3A_183 = arith.xori %eq3A_68, %not3A_182 : i1
      %and3A_184 = arith.andi %or3A_181, %not3A_183 : i1
      %convert_element_type3A_185 = arith.extui %and3A_184 : i1 to i32
      %cond3A_186 = arith.constant 0 : i32
      %cond3A_187 = arith.cmpi ne, %convert_element_type3A_185, %cond3A_186 : i32
      scf.if %cond3A_187 {
        "tpu.trace_start"() <{level = 10 : i32, message = "ep_wait_out"}> : () -> ()
        %rem3A_266 = arith.constant 2 : i32
        %rem3A_267 = arith.remui %scan3A_64, %rem3A_266 : i32
        %mul3A_268 = arith.constant 128 : i32
        %mul3A_269 = arith.muli %mul3A_268, %add3A_82 : i32
        %dma_wait3A_270 = arith.constant 0 : i32
        %dma_wait3A_271 = arith.constant 0 : i32
        %dma_wait3A_272 = tpu.memref_slice %run_scoped3A_8[%rem3A_267, %dma_wait3A_270, %dma_wait3A_271] : memref<2x128x128xf32, #tpu.memory_space<vmem>> -> memref<1x128x128xf32, #tpu.memory_space<vmem>>
        %dma_wait3A_273 = tpu.memref_squeeze %dma_wait3A_272 : memref<1x128x128xf32, #tpu.memory_space<vmem>> -> memref<128x128xf32, #tpu.memory_space<vmem>>
        %dma_wait3A_274 = arith.constant 0 : i32
        %dma_wait3A_275 = tpu.memref_slice %arg4[%mul3A_269, %dma_wait3A_274] : memref<4096x128xf32, #tpu.memory_space<hbm>> -> memref<128x128xf32, #tpu.memory_space<hbm>>
        %dma_wait3A_276 = tpu.memref_slice %run_scoped3A_9[%rem3A_267] : memref<2x!tpu.dma_semaphore, #tpu.memory_space<semaphore_mem>> -> memref<1x!tpu.dma_semaphore, #tpu.memory_space<semaphore_mem>>
        %dma_wait3A_277 = tpu.memref_squeeze %dma_wait3A_276 : memref<1x!tpu.dma_semaphore, #tpu.memory_space<semaphore_mem>> -> memref<!tpu.dma_semaphore, #tpu.memory_space<semaphore_mem>>
        %dma_wait3A_278 = arith.constant 0 : i32
        %dma_wait3A_279 = tpu.memref_slice %arg4[%mul3A_269, %dma_wait3A_278] : memref<4096x128xf32, #tpu.memory_space<hbm>> -> memref<128x128xf32, #tpu.memory_space<hbm>>
        %dma_wait3A_280 = arith.constant 0 : i32
        %dma_wait3A_281 = arith.constant 0 : i32
        %dma_wait3A_282 = tpu.memref_slice %run_scoped3A_8[%rem3A_267, %dma_wait3A_280, %dma_wait3A_281] : memref<2x128x128xf32, #tpu.memory_space<vmem>> -> memref<1x128x128xf32, #tpu.memory_space<vmem>>
        %dma_wait3A_283 = tpu.memref_squeeze %dma_wait3A_282 : memref<1x128x128xf32, #tpu.memory_space<vmem>> -> memref<128x128xf32, #tpu.memory_space<vmem>>
        tpu.wait_dma2 semaphore(%dma_wait3A_277 : memref<!tpu.dma_semaphore, #tpu.memory_space<semaphore_mem>>) src(%dma_wait3A_283 : memref<128x128xf32, #tpu.memory_space<vmem>>) dst(%dma_wait3A_279 : memref<128x128xf32, #tpu.memory_space<hbm>>)
        "tpu.trace_stop"() : () -> ()
      } else {
      }
      %and3A_188 = arith.constant true
      %and3A_189 = arith.andi %and3A_184, %and3A_188 : i1
      %add3A_190 = arith.constant 1 : i32
      %add3A_191 = arith.addi %scan3A_64, %add3A_190 : i32
      %select_n3A_192 = arith.select %and3A_189, %add3A_191, %scan3A_64 : i32
      %ne3A_193 = arith.cmpi ne, %add3A_72, %add3A_92 : i32
      %or3A_194 = arith.constant false
      %or3A_195 = arith.ori %or3A_194, %ne3A_193 : i1
      %or3A_196 = arith.ori %or3A_195, %eq3A_70 : i1
      %add3A_197 = arith.constant 1 : i32
      %add3A_198 = arith.addi %scan3A, %add3A_197 : i32
      %select_n3A_199 = arith.select %or3A_196, %add3A_198, %scan3A : i32
      %select_n3A_200 = arith.constant true
      %select_n3A_201 = arith.constant 0 : i32
      %select_n3A_202 = arith.constant 1 : i32
      %select_n3A_203 = arith.select %select_n3A_200, %select_n3A_202, %select_n3A_201 : i32
      %eq3A_204 = arith.constant 1 : i32
      %eq3A_205 = arith.cmpi eq, %select_n3A_203, %eq3A_204 : i32
      %select_n3A_206 = arith.constant 0 : i32
      %select_n3A_207 = arith.select %eq3A_205, %select_n3A_206, %select_n3A_203 : i32
      %scan3A_208 = arith.constant 0 : i32
      %scan3A_209 = arith.constant 1 : i32
      %sub3A = arith.constant 1 : i32
      %sub3A_210 = arith.subi %scan3A_208, %sub3A : i32
      %select_n3A_211 = arith.constant true
      %select_n3A_212 = arith.select %select_n3A_211, %sub3A_210, %scan3A_208 : i32
      %eq3A_213 = arith.constant -1 : i32
      %eq3A_214 = arith.cmpi eq, %select_n3A_212, %eq3A_213 : i32
      %select_n3A_215 = arith.constant 0 : i32
      %select_n3A_216 = arith.select %eq3A_214, %select_n3A_215, %select_n3A_212 : i32
      %add3A_217 = arith.constant 0 : i32
      %add3A_218 = arith.addi %add3A_217, %mul3A_6 : i32
      %select_n3A_219 = arith.constant true
      %select_n3A_220 = arith.constant 0 : i32
      %select_n3A_221 = arith.constant -1 : i32
      %select_n3A_222 = arith.select %select_n3A_219, %select_n3A_221, %select_n3A_220 : i32
      %eq3A_223 = arith.constant -1 : i32
      %eq3A_224 = arith.cmpi eq, %select_n3A_222, %eq3A_223 : i32
      %select_n3A_225 = arith.constant 0 : i32
      %select_n3A_226 = arith.select %eq3A_224, %select_n3A_225, %select_n3A_222 : i32
      %add3A_227 = arith.constant 0 : i32
      %add3A_228 = arith.addi %add3A_227, %mul3A_6 : i32
      %select_n3A_229 = arith.constant true
      %select_n3A_230 = arith.constant 0 : i32
      %select_n3A_231 = arith.constant 1 : i32
      %select_n3A_232 = arith.select %select_n3A_229, %select_n3A_231, %select_n3A_230 : i32
      %eq3A_233 = arith.constant 1 : i32
      %eq3A_234 = arith.cmpi eq, %select_n3A_232, %eq3A_233 : i32
      %select_n3A_235 = arith.constant 0 : i32
      %select_n3A_236 = arith.select %eq3A_234, %select_n3A_235, %select_n3A_232 : i32
      %add3A_237 = arith.constant 0 : i32
      %add3A_238 = arith.addi %add3A_237, %mul3A_6 : i32
      %select_n3A_239 = arith.constant true
      %select_n3A_240 = arith.constant 0 : i32
      %select_n3A_241 = arith.constant 1 : i32
      %select_n3A_242 = arith.select %select_n3A_239, %select_n3A_241, %select_n3A_240 : i32
      %eq3A_243 = arith.constant 1 : i32
      %eq3A_244 = arith.cmpi eq, %select_n3A_242, %eq3A_243 : i32
      %select_n3A_245 = arith.constant 0 : i32
      %select_n3A_246 = arith.select %eq3A_244, %select_n3A_245, %select_n3A_242 : i32
      %add3A_247 = arith.constant 0 : i32
      %add3A_248 = arith.addi %add3A_247, %mul3A_6 : i32
      "tpu.trace_start"() <{level = 10 : i32, message = "ep_finalize"}> : () -> ()
      %rem3A_249 = arith.constant 2 : i32
      %rem3A_250 = arith.remui %select_n3A_192, %rem3A_249 : i32
      %mul3A_251 = arith.constant 128 : i32
      %mul3A_252 = arith.muli %mul3A_251, %add3A_218 : i32
      %dma_wait3A = arith.constant 0 : i32
      %dma_wait3A_253 = arith.constant 0 : i32
      %dma_wait3A_254 = tpu.memref_slice %run_scoped3A_8[%rem3A_250, %dma_wait3A, %dma_wait3A_253] : memref<2x128x128xf32, #tpu.memory_space<vmem>> -> memref<1x128x128xf32, #tpu.memory_space<vmem>>
      %dma_wait3A_255 = tpu.memref_squeeze %dma_wait3A_254 : memref<1x128x128xf32, #tpu.memory_space<vmem>> -> memref<128x128xf32, #tpu.memory_space<vmem>>
      %dma_wait3A_256 = arith.constant 0 : i32
      %dma_wait3A_257 = tpu.memref_slice %arg4[%mul3A_252, %dma_wait3A_256] : memref<4096x128xf32, #tpu.memory_space<hbm>> -> memref<128x128xf32, #tpu.memory_space<hbm>>
      %dma_wait3A_258 = tpu.memref_slice %run_scoped3A_9[%rem3A_250] : memref<2x!tpu.dma_semaphore, #tpu.memory_space<semaphore_mem>> -> memref<1x!tpu.dma_semaphore, #tpu.memory_space<semaphore_mem>>
      %dma_wait3A_259 = tpu.memref_squeeze %dma_wait3A_258 : memref<1x!tpu.dma_semaphore, #tpu.memory_space<semaphore_mem>> -> memref<!tpu.dma_semaphore, #tpu.memory_space<semaphore_mem>>
      %dma_wait3A_260 = arith.constant 0 : i32
      %dma_wait3A_261 = tpu.memref_slice %arg4[%mul3A_252, %dma_wait3A_260] : memref<4096x128xf32, #tpu.memory_space<hbm>> -> memref<128x128xf32, #tpu.memory_space<hbm>>
      %dma_wait3A_262 = arith.constant 0 : i32
      %dma_wait3A_263 = arith.constant 0 : i32
      %dma_wait3A_264 = tpu.memref_slice %run_scoped3A_8[%rem3A_250, %dma_wait3A_262, %dma_wait3A_263] : memref<2x128x128xf32, #tpu.memory_space<vmem>> -> memref<1x128x128xf32, #tpu.memory_space<vmem>>
      %dma_wait3A_265 = tpu.memref_squeeze %dma_wait3A_264 : memref<1x128x128xf32, #tpu.memory_space<vmem>> -> memref<128x128xf32, #tpu.memory_space<vmem>>
      tpu.wait_dma2 semaphore(%dma_wait3A_259 : memref<!tpu.dma_semaphore, #tpu.memory_space<semaphore_mem>>) src(%dma_wait3A_265 : memref<128x128xf32, #tpu.memory_space<vmem>>) dst(%dma_wait3A_261 : memref<128x128xf32, #tpu.memory_space<hbm>>)
      "tpu.trace_stop"() : () -> ()
      tpu.yield
    }) : () -> ()
    return
  }
}

module attributes {stable_mosaic.version = 14 : i64} {
  func.func @_tc_body(%arg0: i32, %arg1: memref<256x128xf32, #tpu.memory_space<vmem>>, %arg2: memref<10x1000x128xbf16, #tpu.memory_space<vmem>>, %arg3: memref<1000x10xf32, #tpu.memory_space<vmem>>, %arg4: memref<10x1000x256xf32, #tpu.memory_space<vmem>>) attributes {dimension_semantics = [#tpu.dimension_semantics<parallel>], iteration_bounds = array<i64: 16>, scalar_prefetch = 0 : i64, scratch_operands = 0 : i64, tpu.core_type = #tpu.core_type<tc>, window_params = [{transform_indices = @transform_0, window_bounds = array<i64: 256, 128>}, {pipeline_mode = #tpu.pipeline_mode<synchronous>, transform_indices = @transform_1, window_bounds = array<i64: 10, 1000, 128>}, {pipeline_mode = #tpu.pipeline_mode<synchronous>, transform_indices = @transform_2, window_bounds = array<i64: 1000, 10>}, {transform_indices = @transform_3, window_bounds = array<i64: 10, 1000, 256>}]} {
    %get3A = arith.constant 0 : index
    %get3A_0 = arith.constant 0 : index
    %get3A_1 = vector.load %arg1[%get3A, %get3A_0] : memref<256x128xf32, #tpu.memory_space<vmem>>, vector<256x128xf32>
    %convert_element_type3A = arith.truncf %get3A_1 : vector<256x128xf32> to vector<256x128xbf16>
    %get3A_2 = arith.constant 0 : index
    %get3A_3 = arith.constant 0 : index
    %get3A_4 = arith.constant 0 : index
    %get3A_5 = vector.load %arg2[%get3A_2, %get3A_3, %get3A_4] : memref<10x1000x128xbf16, #tpu.memory_space<vmem>>, vector<1x1000x128xbf16>
    %get3A_6 = vector.shape_cast %get3A_5 : vector<1x1000x128xbf16> to vector<1000x128xbf16>
    %dot_general3A = arith.constant dense<0.000000e+00> : vector<1000x256xf32>
    %dot_general3A_7 = tpu.matmul %get3A_6, %convert_element_type3A, %dot_general3A {dimension_numbers = #tpu.dot_dimension_numbers<[1], [1], [0], [0], [0, 0, 1, 0], [], []>, transpose_lhs_hint = false} : vector<1000x128xbf16>, vector<256x128xbf16>, vector<1000x256xf32> -> vector<1000x256xf32>
    %get3A_8 = arith.constant 0 : index
    %get3A_9 = arith.constant 0 : index
    %get3A_10 = vector.load %arg3[%get3A_8, %get3A_9] : memref<1000x10xf32, #tpu.memory_space<vmem>>, vector<1000x1xf32>
    %add3A = vector.broadcast %get3A_10 : vector<1000x1xf32> to vector<1000x256xf32>
    %add3A_11 = arith.addf %dot_general3A_7, %add3A : vector<1000x256xf32>
    %exp3A = math.exp %add3A_11 : vector<1000x256xf32>
    %reduce_sum3A = arith.constant dense<0.000000e+00> : vector<256xf32>
    %reduce_sum3A_12 = vector.multi_reduction <add>, %exp3A, %reduce_sum3A [0] : vector<1000x256xf32> to vector<256xf32>
    %broadcast_in_dim3A = vector.shape_cast %reduce_sum3A_12 : vector<256xf32> to vector<1x256xf32>
    %div3A = arith.constant 1.000000e+00 : f32
    %div3A_13 = vector.broadcast %div3A : f32 to vector<1x256xf32>
    %div3A_14 = arith.divf %div3A_13, %broadcast_in_dim3A : vector<1x256xf32>
    %mul3A = vector.broadcast %div3A_14 : vector<1x256xf32> to vector<1000x256xf32>
    %mul3A_15 = arith.mulf %exp3A, %mul3A : vector<1000x256xf32>
    %swap3A = arith.constant 0 : index
    %swap3A_16 = arith.constant 0 : index
    %swap3A_17 = arith.constant 0 : index
    %swap3A_18 = vector.load %arg4[%swap3A, %swap3A_16, %swap3A_17] : memref<10x1000x256xf32, #tpu.memory_space<vmem>>, vector<1x1000x256xf32>
    %swap3A_19 = vector.shape_cast %swap3A_18 : vector<1x1000x256xf32> to vector<1000x256xf32>
    %swap3A_20 = vector.shape_cast %mul3A_15 : vector<1000x256xf32> to vector<1x1000x256xf32>
    tpu.vector_store %arg4[%swap3A, %swap3A_16, %swap3A_17], %swap3A_20 {strides = array<i32>} : memref<10x1000x256xf32, #tpu.memory_space<vmem>>, vector<1x1000x256xf32>,
    %get3A_21 = arith.constant 1 : index
    %get3A_22 = arith.constant 0 : index
    %get3A_23 = arith.constant 0 : index
    %get3A_24 = vector.load %arg2[%get3A_21, %get3A_22, %get3A_23] : memref<10x1000x128xbf16, #tpu.memory_space<vmem>>, vector<1x1000x128xbf16>
    %get3A_25 = vector.shape_cast %get3A_24 : vector<1x1000x128xbf16> to vector<1000x128xbf16>
    %dot_general3A_26 = arith.constant dense<0.000000e+00> : vector<1000x256xf32>
    %dot_general3A_27 = tpu.matmul %get3A_25, %convert_element_type3A, %dot_general3A_26 {dimension_numbers = #tpu.dot_dimension_numbers<[1], [1], [0], [0], [0, 0, 1, 0], [], []>, transpose_lhs_hint = false} : vector<1000x128xbf16>, vector<256x128xbf16>, vector<1000x256xf32> -> vector<1000x256xf32>
    %get3A_28 = arith.constant 0 : index
    %get3A_29 = arith.constant 1 : index
    %get3A_30 = vector.load %arg3[%get3A_28, %get3A_29] : memref<1000x10xf32, #tpu.memory_space<vmem>>, vector<1000x1xf32>
    %add3A_31 = vector.broadcast %get3A_30 : vector<1000x1xf32> to vector<1000x256xf32>
    %add3A_32 = arith.addf %dot_general3A_27, %add3A_31 : vector<1000x256xf32>
    %exp3A_33 = math.exp %add3A_32 : vector<1000x256xf32>
    %reduce_sum3A_34 = arith.constant dense<0.000000e+00> : vector<256xf32>
    %reduce_sum3A_35 = vector.multi_reduction <add>, %exp3A_33, %reduce_sum3A_34 [0] : vector<1000x256xf32> to vector<256xf32>
    %broadcast_in_dim3A_36 = vector.shape_cast %reduce_sum3A_35 : vector<256xf32> to vector<1x256xf32>
    %div3A_37 = arith.constant 1.000000e+00 : f32
    %div3A_38 = vector.broadcast %div3A_37 : f32 to vector<1x256xf32>
    %div3A_39 = arith.divf %div3A_38, %broadcast_in_dim3A_36 : vector<1x256xf32>
    %mul3A_40 = vector.broadcast %div3A_39 : vector<1x256xf32> to vector<1000x256xf32>
    %mul3A_41 = arith.mulf %exp3A_33, %mul3A_40 : vector<1000x256xf32>
    %swap3A_42 = arith.constant 1 : index
    %swap3A_43 = arith.constant 0 : index
    %swap3A_44 = arith.constant 0 : index
    %swap3A_45 = vector.load %arg4[%swap3A_42, %swap3A_43, %swap3A_44] : memref<10x1000x256xf32, #tpu.memory_space<vmem>>, vector<1x1000x256xf32>
    %swap3A_46 = vector.shape_cast %swap3A_45 : vector<1x1000x256xf32> to vector<1000x256xf32>
    %swap3A_47 = vector.shape_cast %mul3A_41 : vector<1000x256xf32> to vector<1x1000x256xf32>
    tpu.vector_store %arg4[%swap3A_42, %swap3A_43, %swap3A_44], %swap3A_47 {strides = array<i32>} : memref<10x1000x256xf32, #tpu.memory_space<vmem>>, vector<1x1000x256xf32>,
    %get3A_48 = arith.constant 2 : index
    %get3A_49 = arith.constant 0 : index
    %get3A_50 = arith.constant 0 : index
    %get3A_51 = vector.load %arg2[%get3A_48, %get3A_49, %get3A_50] : memref<10x1000x128xbf16, #tpu.memory_space<vmem>>, vector<1x1000x128xbf16>
    %get3A_52 = vector.shape_cast %get3A_51 : vector<1x1000x128xbf16> to vector<1000x128xbf16>
    %dot_general3A_53 = arith.constant dense<0.000000e+00> : vector<1000x256xf32>
    %dot_general3A_54 = tpu.matmul %get3A_52, %convert_element_type3A, %dot_general3A_53 {dimension_numbers = #tpu.dot_dimension_numbers<[1], [1], [0], [0], [0, 0, 1, 0], [], []>, transpose_lhs_hint = false} : vector<1000x128xbf16>, vector<256x128xbf16>, vector<1000x256xf32> -> vector<1000x256xf32>
    %get3A_55 = arith.constant 0 : index
    %get3A_56 = arith.constant 2 : index
    %get3A_57 = vector.load %arg3[%get3A_55, %get3A_56] : memref<1000x10xf32, #tpu.memory_space<vmem>>, vector<1000x1xf32>
    %add3A_58 = vector.broadcast %get3A_57 : vector<1000x1xf32> to vector<1000x256xf32>
    %add3A_59 = arith.addf %dot_general3A_54, %add3A_58 : vector<1000x256xf32>
    %exp3A_60 = math.exp %add3A_59 : vector<1000x256xf32>
    %reduce_sum3A_61 = arith.constant dense<0.000000e+00> : vector<256xf32>
    %reduce_sum3A_62 = vector.multi_reduction <add>, %exp3A_60, %reduce_sum3A_61 [0] : vector<1000x256xf32> to vector<256xf32>
    %broadcast_in_dim3A_63 = vector.shape_cast %reduce_sum3A_62 : vector<256xf32> to vector<1x256xf32>
    %div3A_64 = arith.constant 1.000000e+00 : f32
    %div3A_65 = vector.broadcast %div3A_64 : f32 to vector<1x256xf32>
    %div3A_66 = arith.divf %div3A_65, %broadcast_in_dim3A_63 : vector<1x256xf32>
    %mul3A_67 = vector.broadcast %div3A_66 : vector<1x256xf32> to vector<1000x256xf32>
    %mul3A_68 = arith.mulf %exp3A_60, %mul3A_67 : vector<1000x256xf32>
    %swap3A_69 = arith.constant 2 : index
    %swap3A_70 = arith.constant 0 : index
    %swap3A_71 = arith.constant 0 : index
    %swap3A_72 = vector.load %arg4[%swap3A_69, %swap3A_70, %swap3A_71] : memref<10x1000x256xf32, #tpu.memory_space<vmem>>, vector<1x1000x256xf32>
    %swap3A_73 = vector.shape_cast %swap3A_72 : vector<1x1000x256xf32> to vector<1000x256xf32>
    %swap3A_74 = vector.shape_cast %mul3A_68 : vector<1000x256xf32> to vector<1x1000x256xf32>
    tpu.vector_store %arg4[%swap3A_69, %swap3A_70, %swap3A_71], %swap3A_74 {strides = array<i32>} : memref<10x1000x256xf32, #tpu.memory_space<vmem>>, vector<1x1000x256xf32>,
    %get3A_75 = arith.constant 3 : index
    %get3A_76 = arith.constant 0 : index
    %get3A_77 = arith.constant 0 : index
    %get3A_78 = vector.load %arg2[%get3A_75, %get3A_76, %get3A_77] : memref<10x1000x128xbf16, #tpu.memory_space<vmem>>, vector<1x1000x128xbf16>
    %get3A_79 = vector.shape_cast %get3A_78 : vector<1x1000x128xbf16> to vector<1000x128xbf16>
    %dot_general3A_80 = arith.constant dense<0.000000e+00> : vector<1000x256xf32>
    %dot_general3A_81 = tpu.matmul %get3A_79, %convert_element_type3A, %dot_general3A_80 {dimension_numbers = #tpu.dot_dimension_numbers<[1], [1], [0], [0], [0, 0, 1, 0], [], []>, transpose_lhs_hint = false} : vector<1000x128xbf16>, vector<256x128xbf16>, vector<1000x256xf32> -> vector<1000x256xf32>
    %get3A_82 = arith.constant 0 : index
    %get3A_83 = arith.constant 3 : index
    %get3A_84 = vector.load %arg3[%get3A_82, %get3A_83] : memref<1000x10xf32, #tpu.memory_space<vmem>>, vector<1000x1xf32>
    %add3A_85 = vector.broadcast %get3A_84 : vector<1000x1xf32> to vector<1000x256xf32>
    %add3A_86 = arith.addf %dot_general3A_81, %add3A_85 : vector<1000x256xf32>
    %exp3A_87 = math.exp %add3A_86 : vector<1000x256xf32>
    %reduce_sum3A_88 = arith.constant dense<0.000000e+00> : vector<256xf32>
    %reduce_sum3A_89 = vector.multi_reduction <add>, %exp3A_87, %reduce_sum3A_88 [0] : vector<1000x256xf32> to vector<256xf32>
    %broadcast_in_dim3A_90 = vector.shape_cast %reduce_sum3A_89 : vector<256xf32> to vector<1x256xf32>
    %div3A_91 = arith.constant 1.000000e+00 : f32
    %div3A_92 = vector.broadcast %div3A_91 : f32 to vector<1x256xf32>
    %div3A_93 = arith.divf %div3A_92, %broadcast_in_dim3A_90 : vector<1x256xf32>
    %mul3A_94 = vector.broadcast %div3A_93 : vector<1x256xf32> to vector<1000x256xf32>
    %mul3A_95 = arith.mulf %exp3A_87, %mul3A_94 : vector<1000x256xf32>
    %swap3A_96 = arith.constant 3 : index
    %swap3A_97 = arith.constant 0 : index
    %swap3A_98 = arith.constant 0 : index
    %swap3A_99 = vector.load %arg4[%swap3A_96, %swap3A_97, %swap3A_98] : memref<10x1000x256xf32, #tpu.memory_space<vmem>>, vector<1x1000x256xf32>
    %swap3A_100 = vector.shape_cast %swap3A_99 : vector<1x1000x256xf32> to vector<1000x256xf32>
    %swap3A_101 = vector.shape_cast %mul3A_95 : vector<1000x256xf32> to vector<1x1000x256xf32>
    tpu.vector_store %arg4[%swap3A_96, %swap3A_97, %swap3A_98], %swap3A_101 {strides = array<i32>} : memref<10x1000x256xf32, #tpu.memory_space<vmem>>, vector<1x1000x256xf32>,
    %get3A_102 = arith.constant 4 : index
    %get3A_103 = arith.constant 0 : index
    %get3A_104 = arith.constant 0 : index
    %get3A_105 = vector.load %arg2[%get3A_102, %get3A_103, %get3A_104] : memref<10x1000x128xbf16, #tpu.memory_space<vmem>>, vector<1x1000x128xbf16>
    %get3A_106 = vector.shape_cast %get3A_105 : vector<1x1000x128xbf16> to vector<1000x128xbf16>
    %dot_general3A_107 = arith.constant dense<0.000000e+00> : vector<1000x256xf32>
    %dot_general3A_108 = tpu.matmul %get3A_106, %convert_element_type3A, %dot_general3A_107 {dimension_numbers = #tpu.dot_dimension_numbers<[1], [1], [0], [0], [0, 0, 1, 0], [], []>, transpose_lhs_hint = false} : vector<1000x128xbf16>, vector<256x128xbf16>, vector<1000x256xf32> -> vector<1000x256xf32>
    %get3A_109 = arith.constant 0 : index
    %get3A_110 = arith.constant 4 : index
    %get3A_111 = vector.load %arg3[%get3A_109, %get3A_110] : memref<1000x10xf32, #tpu.memory_space<vmem>>, vector<1000x1xf32>
    %add3A_112 = vector.broadcast %get3A_111 : vector<1000x1xf32> to vector<1000x256xf32>
    %add3A_113 = arith.addf %dot_general3A_108, %add3A_112 : vector<1000x256xf32>
    %exp3A_114 = math.exp %add3A_113 : vector<1000x256xf32>
    %reduce_sum3A_115 = arith.constant dense<0.000000e+00> : vector<256xf32>
    %reduce_sum3A_116 = vector.multi_reduction <add>, %exp3A_114, %reduce_sum3A_115 [0] : vector<1000x256xf32> to vector<256xf32>
    %broadcast_in_dim3A_117 = vector.shape_cast %reduce_sum3A_116 : vector<256xf32> to vector<1x256xf32>
    %div3A_118 = arith.constant 1.000000e+00 : f32
    %div3A_119 = vector.broadcast %div3A_118 : f32 to vector<1x256xf32>
    %div3A_120 = arith.divf %div3A_119, %broadcast_in_dim3A_117 : vector<1x256xf32>
    %mul3A_121 = vector.broadcast %div3A_120 : vector<1x256xf32> to vector<1000x256xf32>
    %mul3A_122 = arith.mulf %exp3A_114, %mul3A_121 : vector<1000x256xf32>
    %swap3A_123 = arith.constant 4 : index
    %swap3A_124 = arith.constant 0 : index
    %swap3A_125 = arith.constant 0 : index
    %swap3A_126 = vector.load %arg4[%swap3A_123, %swap3A_124, %swap3A_125] : memref<10x1000x256xf32, #tpu.memory_space<vmem>>, vector<1x1000x256xf32>
    %swap3A_127 = vector.shape_cast %swap3A_126 : vector<1x1000x256xf32> to vector<1000x256xf32>
    %swap3A_128 = vector.shape_cast %mul3A_122 : vector<1000x256xf32> to vector<1x1000x256xf32>
    tpu.vector_store %arg4[%swap3A_123, %swap3A_124, %swap3A_125], %swap3A_128 {strides = array<i32>} : memref<10x1000x256xf32, #tpu.memory_space<vmem>>, vector<1x1000x256xf32>,
    %get3A_129 = arith.constant 5 : index
    %get3A_130 = arith.constant 0 : index
    %get3A_131 = arith.constant 0 : index
    %get3A_132 = vector.load %arg2[%get3A_129, %get3A_130, %get3A_131] : memref<10x1000x128xbf16, #tpu.memory_space<vmem>>, vector<1x1000x128xbf16>
    %get3A_133 = vector.shape_cast %get3A_132 : vector<1x1000x128xbf16> to vector<1000x128xbf16>
    %dot_general3A_134 = arith.constant dense<0.000000e+00> : vector<1000x256xf32>
    %dot_general3A_135 = tpu.matmul %get3A_133, %convert_element_type3A, %dot_general3A_134 {dimension_numbers = #tpu.dot_dimension_numbers<[1], [1], [0], [0], [0, 0, 1, 0], [], []>, transpose_lhs_hint = false} : vector<1000x128xbf16>, vector<256x128xbf16>, vector<1000x256xf32> -> vector<1000x256xf32>
    %get3A_136 = arith.constant 0 : index
    %get3A_137 = arith.constant 5 : index
    %get3A_138 = vector.load %arg3[%get3A_136, %get3A_137] : memref<1000x10xf32, #tpu.memory_space<vmem>>, vector<1000x1xf32>
    %add3A_139 = vector.broadcast %get3A_138 : vector<1000x1xf32> to vector<1000x256xf32>
    %add3A_140 = arith.addf %dot_general3A_135, %add3A_139 : vector<1000x256xf32>
    %exp3A_141 = math.exp %add3A_140 : vector<1000x256xf32>
    %reduce_sum3A_142 = arith.constant dense<0.000000e+00> : vector<256xf32>
    %reduce_sum3A_143 = vector.multi_reduction <add>, %exp3A_141, %reduce_sum3A_142 [0] : vector<1000x256xf32> to vector<256xf32>
    %broadcast_in_dim3A_144 = vector.shape_cast %reduce_sum3A_143 : vector<256xf32> to vector<1x256xf32>
    %div3A_145 = arith.constant 1.000000e+00 : f32
    %div3A_146 = vector.broadcast %div3A_145 : f32 to vector<1x256xf32>
    %div3A_147 = arith.divf %div3A_146, %broadcast_in_dim3A_144 : vector<1x256xf32>
    %mul3A_148 = vector.broadcast %div3A_147 : vector<1x256xf32> to vector<1000x256xf32>
    %mul3A_149 = arith.mulf %exp3A_141, %mul3A_148 : vector<1000x256xf32>
    %swap3A_150 = arith.constant 5 : index
    %swap3A_151 = arith.constant 0 : index
    %swap3A_152 = arith.constant 0 : index
    %swap3A_153 = vector.load %arg4[%swap3A_150, %swap3A_151, %swap3A_152] : memref<10x1000x256xf32, #tpu.memory_space<vmem>>, vector<1x1000x256xf32>
    %swap3A_154 = vector.shape_cast %swap3A_153 : vector<1x1000x256xf32> to vector<1000x256xf32>
    %swap3A_155 = vector.shape_cast %mul3A_149 : vector<1000x256xf32> to vector<1x1000x256xf32>
    tpu.vector_store %arg4[%swap3A_150, %swap3A_151, %swap3A_152], %swap3A_155 {strides = array<i32>} : memref<10x1000x256xf32, #tpu.memory_space<vmem>>, vector<1x1000x256xf32>,
    %get3A_156 = arith.constant 6 : index
    %get3A_157 = arith.constant 0 : index
    %get3A_158 = arith.constant 0 : index
    %get3A_159 = vector.load %arg2[%get3A_156, %get3A_157, %get3A_158] : memref<10x1000x128xbf16, #tpu.memory_space<vmem>>, vector<1x1000x128xbf16>
    %get3A_160 = vector.shape_cast %get3A_159 : vector<1x1000x128xbf16> to vector<1000x128xbf16>
    %dot_general3A_161 = arith.constant dense<0.000000e+00> : vector<1000x256xf32>
    %dot_general3A_162 = tpu.matmul %get3A_160, %convert_element_type3A, %dot_general3A_161 {dimension_numbers = #tpu.dot_dimension_numbers<[1], [1], [0], [0], [0, 0, 1, 0], [], []>, transpose_lhs_hint = false} : vector<1000x128xbf16>, vector<256x128xbf16>, vector<1000x256xf32> -> vector<1000x256xf32>
    %get3A_163 = arith.constant 0 : index
    %get3A_164 = arith.constant 6 : index
    %get3A_165 = vector.load %arg3[%get3A_163, %get3A_164] : memref<1000x10xf32, #tpu.memory_space<vmem>>, vector<1000x1xf32>
    %add3A_166 = vector.broadcast %get3A_165 : vector<1000x1xf32> to vector<1000x256xf32>
    %add3A_167 = arith.addf %dot_general3A_162, %add3A_166 : vector<1000x256xf32>
    %exp3A_168 = math.exp %add3A_167 : vector<1000x256xf32>
    %reduce_sum3A_169 = arith.constant dense<0.000000e+00> : vector<256xf32>
    %reduce_sum3A_170 = vector.multi_reduction <add>, %exp3A_168, %reduce_sum3A_169 [0] : vector<1000x256xf32> to vector<256xf32>
    %broadcast_in_dim3A_171 = vector.shape_cast %reduce_sum3A_170 : vector<256xf32> to vector<1x256xf32>
    %div3A_172 = arith.constant 1.000000e+00 : f32
    %div3A_173 = vector.broadcast %div3A_172 : f32 to vector<1x256xf32>
    %div3A_174 = arith.divf %div3A_173, %broadcast_in_dim3A_171 : vector<1x256xf32>
    %mul3A_175 = vector.broadcast %div3A_174 : vector<1x256xf32> to vector<1000x256xf32>
    %mul3A_176 = arith.mulf %exp3A_168, %mul3A_175 : vector<1000x256xf32>
    %swap3A_177 = arith.constant 6 : index
    %swap3A_178 = arith.constant 0 : index
    %swap3A_179 = arith.constant 0 : index
    %swap3A_180 = vector.load %arg4[%swap3A_177, %swap3A_178, %swap3A_179] : memref<10x1000x256xf32, #tpu.memory_space<vmem>>, vector<1x1000x256xf32>
    %swap3A_181 = vector.shape_cast %swap3A_180 : vector<1x1000x256xf32> to vector<1000x256xf32>
    %swap3A_182 = vector.shape_cast %mul3A_176 : vector<1000x256xf32> to vector<1x1000x256xf32>
    tpu.vector_store %arg4[%swap3A_177, %swap3A_178, %swap3A_179], %swap3A_182 {strides = array<i32>} : memref<10x1000x256xf32, #tpu.memory_space<vmem>>, vector<1x1000x256xf32>,
    %get3A_183 = arith.constant 7 : index
    %get3A_184 = arith.constant 0 : index
    %get3A_185 = arith.constant 0 : index
    %get3A_186 = vector.load %arg2[%get3A_183, %get3A_184, %get3A_185] : memref<10x1000x128xbf16, #tpu.memory_space<vmem>>, vector<1x1000x128xbf16>
    %get3A_187 = vector.shape_cast %get3A_186 : vector<1x1000x128xbf16> to vector<1000x128xbf16>
    %dot_general3A_188 = arith.constant dense<0.000000e+00> : vector<1000x256xf32>
    %dot_general3A_189 = tpu.matmul %get3A_187, %convert_element_type3A, %dot_general3A_188 {dimension_numbers = #tpu.dot_dimension_numbers<[1], [1], [0], [0], [0, 0, 1, 0], [], []>, transpose_lhs_hint = false} : vector<1000x128xbf16>, vector<256x128xbf16>, vector<1000x256xf32> -> vector<1000x256xf32>
    %get3A_190 = arith.constant 0 : index
    %get3A_191 = arith.constant 7 : index
    %get3A_192 = vector.load %arg3[%get3A_190, %get3A_191] : memref<1000x10xf32, #tpu.memory_space<vmem>>, vector<1000x1xf32>
    %add3A_193 = vector.broadcast %get3A_192 : vector<1000x1xf32> to vector<1000x256xf32>
    %add3A_194 = arith.addf %dot_general3A_189, %add3A_193 : vector<1000x256xf32>
    %exp3A_195 = math.exp %add3A_194 : vector<1000x256xf32>
    %reduce_sum3A_196 = arith.constant dense<0.000000e+00> : vector<256xf32>
    %reduce_sum3A_197 = vector.multi_reduction <add>, %exp3A_195, %reduce_sum3A_196 [0] : vector<1000x256xf32> to vector<256xf32>
    %broadcast_in_dim3A_198 = vector.shape_cast %reduce_sum3A_197 : vector<256xf32> to vector<1x256xf32>
    %div3A_199 = arith.constant 1.000000e+00 : f32
    %div3A_200 = vector.broadcast %div3A_199 : f32 to vector<1x256xf32>
    %div3A_201 = arith.divf %div3A_200, %broadcast_in_dim3A_198 : vector<1x256xf32>
    %mul3A_202 = vector.broadcast %div3A_201 : vector<1x256xf32> to vector<1000x256xf32>
    %mul3A_203 = arith.mulf %exp3A_195, %mul3A_202 : vector<1000x256xf32>
    %swap3A_204 = arith.constant 7 : index
    %swap3A_205 = arith.constant 0 : index
    %swap3A_206 = arith.constant 0 : index
    %swap3A_207 = vector.load %arg4[%swap3A_204, %swap3A_205, %swap3A_206] : memref<10x1000x256xf32, #tpu.memory_space<vmem>>, vector<1x1000x256xf32>
    %swap3A_208 = vector.shape_cast %swap3A_207 : vector<1x1000x256xf32> to vector<1000x256xf32>
    %swap3A_209 = vector.shape_cast %mul3A_203 : vector<1000x256xf32> to vector<1x1000x256xf32>
    tpu.vector_store %arg4[%swap3A_204, %swap3A_205, %swap3A_206], %swap3A_209 {strides = array<i32>} : memref<10x1000x256xf32, #tpu.memory_space<vmem>>, vector<1x1000x256xf32>,
    %get3A_210 = arith.constant 8 : index
    %get3A_211 = arith.constant 0 : index
    %get3A_212 = arith.constant 0 : index
    %get3A_213 = vector.load %arg2[%get3A_210, %get3A_211, %get3A_212] : memref<10x1000x128xbf16, #tpu.memory_space<vmem>>, vector<1x1000x128xbf16>
    %get3A_214 = vector.shape_cast %get3A_213 : vector<1x1000x128xbf16> to vector<1000x128xbf16>
    %dot_general3A_215 = arith.constant dense<0.000000e+00> : vector<1000x256xf32>
    %dot_general3A_216 = tpu.matmul %get3A_214, %convert_element_type3A, %dot_general3A_215 {dimension_numbers = #tpu.dot_dimension_numbers<[1], [1], [0], [0], [0, 0, 1, 0], [], []>, transpose_lhs_hint = false} : vector<1000x128xbf16>, vector<256x128xbf16>, vector<1000x256xf32> -> vector<1000x256xf32>
    %get3A_217 = arith.constant 0 : index
    %get3A_218 = arith.constant 8 : index
    %get3A_219 = vector.load %arg3[%get3A_217, %get3A_218] : memref<1000x10xf32, #tpu.memory_space<vmem>>, vector<1000x1xf32>
    %add3A_220 = vector.broadcast %get3A_219 : vector<1000x1xf32> to vector<1000x256xf32>
    %add3A_221 = arith.addf %dot_general3A_216, %add3A_220 : vector<1000x256xf32>
    %exp3A_222 = math.exp %add3A_221 : vector<1000x256xf32>
    %reduce_sum3A_223 = arith.constant dense<0.000000e+00> : vector<256xf32>
    %reduce_sum3A_224 = vector.multi_reduction <add>, %exp3A_222, %reduce_sum3A_223 [0] : vector<1000x256xf32> to vector<256xf32>
    %broadcast_in_dim3A_225 = vector.shape_cast %reduce_sum3A_224 : vector<256xf32> to vector<1x256xf32>
    %div3A_226 = arith.constant 1.000000e+00 : f32
    %div3A_227 = vector.broadcast %div3A_226 : f32 to vector<1x256xf32>
    %div3A_228 = arith.divf %div3A_227, %broadcast_in_dim3A_225 : vector<1x256xf32>
    %mul3A_229 = vector.broadcast %div3A_228 : vector<1x256xf32> to vector<1000x256xf32>
    %mul3A_230 = arith.mulf %exp3A_222, %mul3A_229 : vector<1000x256xf32>
    %swap3A_231 = arith.constant 8 : index
    %swap3A_232 = arith.constant 0 : index
    %swap3A_233 = arith.constant 0 : index
    %swap3A_234 = vector.load %arg4[%swap3A_231, %swap3A_232, %swap3A_233] : memref<10x1000x256xf32, #tpu.memory_space<vmem>>, vector<1x1000x256xf32>
    %swap3A_235 = vector.shape_cast %swap3A_234 : vector<1x1000x256xf32> to vector<1000x256xf32>
    %swap3A_236 = vector.shape_cast %mul3A_230 : vector<1000x256xf32> to vector<1x1000x256xf32>
    tpu.vector_store %arg4[%swap3A_231, %swap3A_232, %swap3A_233], %swap3A_236 {strides = array<i32>} : memref<10x1000x256xf32, #tpu.memory_space<vmem>>, vector<1x1000x256xf32>,
    %get3A_237 = arith.constant 9 : index
    %get3A_238 = arith.constant 0 : index
    %get3A_239 = arith.constant 0 : index
    %get3A_240 = vector.load %arg2[%get3A_237, %get3A_238, %get3A_239] : memref<10x1000x128xbf16, #tpu.memory_space<vmem>>, vector<1x1000x128xbf16>
    %get3A_241 = vector.shape_cast %get3A_240 : vector<1x1000x128xbf16> to vector<1000x128xbf16>
    %dot_general3A_242 = arith.constant dense<0.000000e+00> : vector<1000x256xf32>
    %dot_general3A_243 = tpu.matmul %get3A_241, %convert_element_type3A, %dot_general3A_242 {dimension_numbers = #tpu.dot_dimension_numbers<[1], [1], [0], [0], [0, 0, 1, 0], [], []>, transpose_lhs_hint = false} : vector<1000x128xbf16>, vector<256x128xbf16>, vector<1000x256xf32> -> vector<1000x256xf32>
    %get3A_244 = arith.constant 0 : index
    %get3A_245 = arith.constant 9 : index
    %get3A_246 = vector.load %arg3[%get3A_244, %get3A_245] : memref<1000x10xf32, #tpu.memory_space<vmem>>, vector<1000x1xf32>
    %add3A_247 = vector.broadcast %get3A_246 : vector<1000x1xf32> to vector<1000x256xf32>
    %add3A_248 = arith.addf %dot_general3A_243, %add3A_247 : vector<1000x256xf32>
    %exp3A_249 = math.exp %add3A_248 : vector<1000x256xf32>
    %reduce_sum3A_250 = arith.constant dense<0.000000e+00> : vector<256xf32>
    %reduce_sum3A_251 = vector.multi_reduction <add>, %exp3A_249, %reduce_sum3A_250 [0] : vector<1000x256xf32> to vector<256xf32>
    %broadcast_in_dim3A_252 = vector.shape_cast %reduce_sum3A_251 : vector<256xf32> to vector<1x256xf32>
    %div3A_253 = arith.constant 1.000000e+00 : f32
    %div3A_254 = vector.broadcast %div3A_253 : f32 to vector<1x256xf32>
    %div3A_255 = arith.divf %div3A_254, %broadcast_in_dim3A_252 : vector<1x256xf32>
    %mul3A_256 = vector.broadcast %div3A_255 : vector<1x256xf32> to vector<1000x256xf32>
    %mul3A_257 = arith.mulf %exp3A_249, %mul3A_256 : vector<1000x256xf32>
    %swap3A_258 = arith.constant 9 : index
    %swap3A_259 = arith.constant 0 : index
    %swap3A_260 = arith.constant 0 : index
    %swap3A_261 = vector.load %arg4[%swap3A_258, %swap3A_259, %swap3A_260] : memref<10x1000x256xf32, #tpu.memory_space<vmem>>, vector<1x1000x256xf32>
    %swap3A_262 = vector.shape_cast %swap3A_261 : vector<1x1000x256xf32> to vector<1000x256xf32>
    %swap3A_263 = vector.shape_cast %mul3A_257 : vector<1000x256xf32> to vector<1x1000x256xf32>
    tpu.vector_store %arg4[%swap3A_258, %swap3A_259, %swap3A_260], %swap3A_263 {strides = array<i32>} : memref<10x1000x256xf32, #tpu.memory_space<vmem>>, vector<1x1000x256xf32>,
    return
  }
  func.func @transform_0(%arg0: i32) -> (i32, i32) {
    %c0_i32 = arith.constant 0 : i32
    %c0_i32_0 = arith.constant 0 : i32
    return %arg0, %c0_i32 : i32, i32
  }
  func.func @transform_1(%arg0: i32) -> (i32, i32, i32) {
    %c0_i32 = arith.constant 0 : i32
    %c0_i32_0 = arith.constant 0 : i32
    %c0_i32_1 = arith.constant 0 : i32
    %c0_i32_2 = arith.constant 0 : i32
    return %c0_i32, %c0_i32_0, %c0_i32_1 : i32, i32, i32
  }
  func.func @transform_2(%arg0: i32) -> (i32, i32) {
    %c0_i32 = arith.constant 0 : i32
    %c0_i32_0 = arith.constant 0 : i32
    %c0_i32_1 = arith.constant 0 : i32
    return %c0_i32, %c0_i32_0 : i32, i32
  }
  func.func @transform_3(%arg0: i32) -> (i32, i32, i32) {
    %c0_i32 = arith.constant 0 : i32
    %c0_i32_0 = arith.constant 0 : i32
    %c0_i32_1 = arith.constant 0 : i32
    return %c0_i32, %c0_i32_0, %arg0 : i32, i32, i32
  }
}

</mosaic_0001>

<sc_bundles>
// kernel: kernel.4.cloned.1.call-start
scs
__scs_entry_jumppad:
0x0: {  	(pc) =	sbr.rel $0x88, $3  }
0x1: {  	(tag) =	ssettag $0x0;
	lr =	simm.s32 $0x1  }
0x2: {  	[smem:$0x3F9D] =	sst lr;
	_ =	strace $0xD0000000  }
0x3: {  	_ = 	snop  }
0x4: {  	_ = 	snop  }
0x5: {  	_ = 	snop  }
0x6: {  	_ = 	snop  }
0x7: {  	_ = 	snop  }
__scs_overlays_trampoline_lowered:
0x8: {  	[smem:$0x3FAC] =	sst s0  }
0x9: {  	[smem:$0x3FAD] =	sst s1  }
0xa: {  	[smem:$0x3FAE] =	sst s2  }
0xb: {  	[smem:$0x3FAF] =	sst s3  }
0xc: {  	[smem:$0x3FB0] =	sst s4  }
0xd: {  	[smem:$0x3FB1] =	sst s5  }
0xe: {  	[smem:$0x3FB2] =	sst s6  }
0xf: {  	[smem:$0x3FB3] =	sst s7  }
0x10: {  	[smem:$0x3FB4] =	sst s8  }
0x11: {  	[smem:$0x3FB5] =	sst s9;
	s0 =	simm.s32 @!p0 $0x0  }
0x12: {  	s1 =	sld [smem:$0x3F9B];
	s0 =	simm.s32 @p0 $0x1  }
0x13: {  	[smem:$0x3FB6] =	sst s0;
	s0 =	simm.s32 @!p1 $0x0  }
0x14: {  	s2 =	sld [smem:$0x3F9A];
	s0 =	simm.s32 @p1 $0x1  }
0x15: {  	[smem:$0x3FB7] =	sst s0;
	s0 =	simm.s32 @!p2 $0x0  }
0x16: {  	s3 =	sld [smem:$0x3FDB];
	s0 =	simm.s32 @p2 $0x1  }
0x17: {  	s4 =	simm.s32 $0x1BF5;
	[smem:$0x3FB9] =	sst s0  }
0x18: {  	s0 =	sld [smem:$0x3F9C];
	_ =	swait.ge [sflag:s4], $0x0  }
0x19: {  	s7 =	sld [smem:$0x3F9D]  }
0x1a: {  	s8 =	sadd.s32 $0xFFFFE003, lr  }
0x1b: {  	s9 =	sadd.s32 $0xFFFFFEF7, lr;
	s5 =	simm.s32 $0xFFFFFFFF;
	p2 =	slt.u32 s8, $0xFFFFF086  }
0x1c: {  	p1 =	slt.u32 s9, $0xF7A;
	s5 =	simm.s32 @!p2 $0x0  }
0x1d: {  	s5 =	simm.s32 @p1 $0x1;
	p0 =	seq.s32 s7, s2  }
0x1e: {  	s7 =	smul.u32 @!p0 $0xF7A, s2;
	p2 =	seq.s32 @!p0 s5, $0x0  }
0x1f: {  	s9 =	smul.u32 $0xF7A, s1;
	s8 =	simm.s32 @!p0 $0x1BF5;
	p2 =	por !p2, p0  }
0x20: {  	[sflag:s8] =	ssyncset.s32 @!p0 $0xFFFFF086;
	s6 =	sadd.s32 @!p0 s3, s7;
	s7 =	simm.s32 @!p0 $0x108  }
0x21: {  	s3 =	sadd.s32 s3, s9;
	s6 =	sadd.s32 @!p0 $0x88, s6;
	s7 =	simm.s32 @p2 $0x1082  }
0x22: {  	[simem:s7], [sflag:s8] =	dma.local @!p0 [hbm:s6], $0xF7A  }
0x23: {  	s9 =	sor.u32 $0xD0000000, s2;
	s6 =	simm.s32 $0x108;
	_ =	swait.ge @!p0 [sflag:s8], $0x0  }
0x24: {  	s3 =	sadd.s32 $0x88, s3;
	s6 =	simm.s32 @!p1 $0x1082;
	[sflag:s4] =	ssyncset.s32 $0xFFFFF086  }
0x25: {  	[simem:s6], [sflag:s4] =	dma.local [hbm:s3], $0xF7A  }
0x26: {  	[smem:$0x3F9D] =	sst s1;
	(tag) =	ssettag s2;
	_ =	strace s9  }
0x27: {  	s1 =	sld [smem:$0x3FAD]  }
0x28: {  	s2 =	sld [smem:$0x3FAE]  }
0x29: {  	s4 =	sld [smem:$0x3FB0]  }
0x2a: {  	p0 =	seq.s32 s5, $0x0;
	s5 =	sld [smem:$0x3FB1]  }
0x2b: {  	s6 =	sld [smem:$0x3FB2]  }
0x2c: {  	s7 =	sld [smem:$0x3FB3]  }
0x2d: {  	s3 =	simm.s32 $0x108;
	s8 =	sld [smem:$0x3FB4]  }
0x2e: {  	s3 =	simm.s32 @!p0 $0x1082;
	s9 =	sld [smem:$0x3FB5]  }
0x2f: {  	lr =	sadd.s32 s0, s3;
	s0 =	sld [smem:$0x3FAC]  }
0x30: {  	s3 =	sld [smem:$0x3FAF]  }
0x31: {  	[smem:$0x3FB8] =	sst s10  }
0x32: {  	s10 =	sld [smem:$0x3FB6];
	_ =	sdelay $0x3  }
0x33: {  	p0 =	seq.s32 s10, $0x1;
	s10 =	sld [smem:$0x3FB8];
	_ =	sdelay $0x3  }
0x34: {  	[smem:$0x3FB8] =	sst s10  }
0x35: {  	s10 =	sld [smem:$0x3FB7];
	_ =	sdelay $0x3  }
0x36: {  	p1 =	seq.s32 s10, $0x1;
	s10 =	sld [smem:$0x3FB8];
	_ =	sdelay $0x3  }
0x37: {  	[smem:$0x3FB8] =	sst s10  }
0x38: {  	s10 =	sld [smem:$0x3FB9]  }
0x39: {  	_ = 	snop;
	(pc) =	sbr.ind lr, $3  }
0x3a: {  	_ = 	snop  }
0x3b: {  	_ = 	snop  }
0x3c: {  	p2 =	seq.s32 s10, $0x1;
	s10 =	sld [smem:$0x3FB8]  }
0x3d: {  	_ =	shalt  }
0x3e: {  	_ =	shalt  }
0x3f: {  	_ =	shalt  }
0x40: {  	_ =	shalt  }
0x41: {  	_ =	shalt  }
0x42: {  	_ =	shalt  }
0x43: {  	_ =	shalt  }
0x44: {  	_ =	shalt  }
0x45: {  	_ =	shalt  }
0x46: {  	_ =	shalt  }
0x47: {  	_ =	shalt  }
0x48: {  	_ =	shalt  }
0x49: {  	_ =	shalt  }
0x4a: {  	_ =	shalt  }
0x4b: {  	_ =	shalt  }
0x4c: {  	_ =	shalt  }
0x4d: {  	_ =	shalt  }
0x4e: {  	_ =	shalt  }
0x4f: {  	_ =	shalt  }
0x50: {  	_ =	shalt  }
0x51: {  	_ =	shalt  }
0x52: {  	_ =	shalt  }
0x53: {  	_ =	shalt  }
0x54: {  	_ =	shalt  }
0x55: {  	_ =	shalt  }
0x56: {  	_ =	shalt  }
0x57: {  	_ =	shalt  }
0x58: {  	_ =	shalt  }
0x59: {  	_ =	shalt  }
0x5a: {  	_ =	shalt  }
0x5b: {  	_ =	shalt  }
0x5c: {  	_ =	shalt  }
0x5d: {  	_ =	shalt  }
0x5e: {  	_ =	shalt  }
0x5f: {  	_ =	shalt  }
0x60: {  	_ =	shalt  }
0x61: {  	_ =	shalt  }
0x62: {  	_ =	shalt  }
0x63: {  	_ =	shalt  }
0x64: {  	_ =	shalt  }
0x65: {  	_ =	shalt  }
0x66: {  	_ =	shalt  }
0x67: {  	_ =	shalt  }
0x68: {  	_ =	shalt  }
0x69: {  	_ =	shalt  }
0x6a: {  	_ =	shalt  }
0x6b: {  	_ =	shalt  }
0x6c: {  	_ =	shalt  }
0x6d: {  	_ =	shalt  }
0x6e: {  	_ =	shalt  }
0x6f: {  	_ =	shalt  }
0x70: {  	_ =	shalt  }
0x71: {  	_ =	shalt  }
0x72: {  	_ =	shalt  }
0x73: {  	_ =	shalt  }
0x74: {  	_ =	shalt  }
0x75: {  	_ =	shalt  }
0x76: {  	_ =	shalt  }
0x77: {  	_ =	shalt  }
0x78: {  	_ =	shalt  }
0x79: {  	_ =	shalt  }
0x7a: {  	_ =	shalt  }
0x7b: {  	_ =	shalt  }
0x7c: {  	_ =	shalt  }
0x7d: {  	_ =	shalt  }
0x7e: {  	_ =	shalt  }
0x7f: {  	_ =	shalt  }
0x80: {  	_ =	shalt  }
0x81: {  	_ =	shalt  }
0x82: {  	_ =	shalt  }
0x83: {  	_ =	shalt  }
0x84: {  	_ =	shalt  }
0x85: {  	_ =	shalt  }
0x86: {  	_ =	shalt  }
0x87: {  	_ =	shalt  }
.Lfunc_end0:
.L_simem_size_0:
called_computation_lowered:
.L_overlay_start_0:
0x88: {  	s2 =	sld [smem:$0x3FD9]  }
0x89: {  	s3 =	sld [smem:$0x3FFE];
	_ =	sdelay $0x1  }
0x8a: {  	s1 =	srdreg.scid  }
0x8b: {  	s0 =	sand.u32 $0x1, s1  }
0x8c: {  	s18 =	sshll.u32 s0, $0xA;
	s2 =	sadd.s32 s3, s2  }
0x8d: {  	s2 =	sadd.s32 s2, s18  }
0x8e: {  	[smem:$0x3FC4] =	sst s2  }
0x8f: {  	_ = 	snop  }
0x90: {  	s2 =	sld [smem:$0x3FC9]  }
0x91: {  	s19 =	sld [smem:$0x3FC8]  }
0x92: {  	s4 =	sld [smem:$0x3FD0];
	(tm) =	ssettm $0x1  }
0x93: {  	s5 =	sld [smem:$0x3FFB];
	_ =	sdelay $0x3  }
0x94: {  	_ =	strace s5  }
0x95: {  	s5 =	sld [smem:$0x3FFC];
	_ =	sdelay $0x3  }
0x96: {  	_ =	strace s5  }
0x97: {  	s5 =	sld [smem:$0x3FFD];
	_ =	sdelay $0x3  }
0x98: {  	_ =	strace s5  }
0x99: {  	_ =	strace $0x8FFFFFFF  }
0x9a: {  	s20 =	sld [smem:$0x3FDB];
	_ =	sdelay $0x1  }
0x9b: {  	s6 =	simm.s32 $_scs_section_size  }
0x9c: {  	s7 =	simm.s32 $_size__tile_overlayer_lowered;
	s8 =	simm.s32 $_tile_overlayer_lowered  }
0x9d: {  	s23 =	simm.s32 $0x1BFF;
	s22 =	sshll.u32 s8, $0x1;
	s5 =	sadd.s32 s6, s20  }
0x9e: {  	s9 =	simm.s32 $0x0;
	s21 =	sshll.u32 s7, $0x1;
	s7 =	sadd.s32 s22, s5  }
0x9f: {  	[timem:s9], [sflag:s23] =	dma.local [hbm:s7], s21  }
0xa0: {  	_ =	swait.ge [sflag:s23], s21  }
0xa1: {  	s6 =	ssub.s32 $0x0, s21;
	[sflag:s23] =	ssyncset.done $0x0  }
0xa2: {  	[sflag:s23] =	ssyncadd.s32 s6;
	_ =	sdelay $0x1  }
0xa3: {  	s24 =	simm.s32 $0x1B8B  }
0xa4: {  	_ =	swait.ge [sflag:s24], $0x1  }
0xa5: {  	[sflag:s24] =	ssyncset.done $0x0  }
0xa6: {  	s25 =	simm.s32 $0x1B8E;
	[sflag:s24] =	ssyncadd.s32 $0xFFFFFFFF  }
0xa7: {  	s26 =	simm.s32 $execute0_lowered;
	[smem:$0x3FD2] =	sst s25  }
0xa8: {  	s6 =	sshll.u32 s26, $0x1;
	_ =	strace $0x80000046;
	[dreg:$0x1] =	wrdreg $0xFFFFFFFF  }
0xa9: {  	s28 =	simm.s32 $_size_execute0_lowered;
	s5 =	sadd.s32 s5, s6;
	[dreg:$0x0] =	wrdreg $0x0  }
0xaa: {  	s6 =	sshll.u32 s28, $0x1;
	[dreg:$0x2] =	wrdreg s5  }
0xab: {  	[dreg:$0x3] =	wrdreg s6  }
0xac: {  	[dreg:$0x4] =	wrdreg $0xC0  }
0xad: {  	_ =	task [dreg:s9], $0x5FFFF  }
0xae: {  	[dreg:$0x1] =	wrdreg $0xFFFFFFFF  }
0xaf: {  	[dreg:$0x0] =	wrdreg $0x60  }
0xb0: {  	[dreg:$0x2] =	wrdreg s19  }
0xb1: {  	[dreg:$0x3] =	wrdreg s2  }
0xb2: {  	[dreg:$0x4] =	wrdreg s4  }
0xb3: {  	[dreg:$0x5] =	wrdreg $0x9  }
0xb4: {  	_ =	task.clear_ibuf [dreg:s9], $0x6FFFF;
	_ =	strace $0x90000046  }
0xb5: {  	s29 =	simm.s32 $0x9;
	_ =	strace $0x8000004D  }
0xb6: {  	_ =	swait.ge [sflag:s29], $0x1  }
0xb7: {  	[sflag:s29] =	ssyncadd.s32 $0xFFFFFFFF  }
0xb8: {  	_ =	strace $0x9000004D  }
0xb9: {  	_ =	sfence  }
0xba: {  	s30 =	sld [smem:$0x0];
	_ =	sdelay $0x2  }
0xbb: {  	s31 =	sshll.u32 s1, $0xD;
	s1 =	sshrl.u32 s1, $0x2  }
0xbc: {  	s3 =	sand.u32 $0x4000, s31;
	s1 =	sadd.s32 s1, s30  }
0xbd: {  	s0 =	sor.u32 s3, s0;
	s1 =	sshll.u32 s1, $0x11  }
0xbe: {  	s0 =	sor.u32 s1, s0  }
0xbf: {  	s0 =	sadd.s32 $0x8F2B, s0  }
0xc0: {  	[sflag:s0] =	ssyncadd.remote.s32 $0x1  }
0xc1: {  	_ =	sfence.sel $0xFFFF  }
0xc2: {  	[dreg:$0x0] =	wrdreg $0xFFFFFFFF;
	(pc) =	sbr.abs _section_cstart, $3  }
0xc3: {  	[dreg:$0x1] =	wrdreg $0xFFFFFFFF  }
0xc4: {  	_ =	task.clear_ibuf [dreg:s9], $0x2FFFF;
	_ =	strace $0x9FFFFFFF  }
0xc5: {  	(tm) =	ssettm $0x7FFFFFFF  }
tec
execute0_lowered:
.L_overlay_start_1:
0x0: {  	(tag) =	ssettag $0x1  }
0x1: {  	s2 =	rddreg [dreg:$0x0]  }
0x2: {  	s4 =	rddreg [dreg:$0x1];
	s3 =	srdreg.scid  }
0x3: {  	s9 =	rddreg [dreg:$0x2];
	s1 =	stileid.u32;
	s10 =	sand.u32 $0x1, s3  }
0x4: {  	s3 =	simm.s32 $0x0;
	s6 =	sshll.u32 s1, $0x7;
	s5 =	sshll.u32 s10, $0xB  }
0x5: {  	[smem:$0x7FF] =	sst s3;
	s11 =	sor.u32 s6, s5  }
0x6: {  	s0 =	rddreg [dreg:$0x3];
	_ =	strace $0x80000047;
	s5 =	sshrl.u32 s11, $0x3  }
0x7: {  	_ =	strace $0x80000048;
	s4 =	sadd.s32 s4, s5  }
0x8: {  	[tilespmem:s3], [sflag:$0x1] =	stream.linear.gather [hbm4b:s4+s3], $0x80, $0x200038;
	[tilespmem:$0x8100] =	vst v63  }
0x9: {  	_ =	strace $0x90000048  }
0xa: {  	s5 =	simm.s32 $0x1;
	_ =	strace $0x80000049  }
0xb: {  	_ =	swait.ge [sflag:s5], $0x80  }
0xc: {  	[sflag:s5] =	ssyncset.done $0x0  }
0xd: {  	[sflag:s5] =	ssyncadd.s32 $0xFFFFFF80  }
0xe: {  	s7 =	simm.s32 $0x100;
	_ =	strace $0x90000049  }
0xf: {  	s8 =	simm.s32 $0x5;
	s6 =	simm.s32 $0x80;
	_ =	strace $0x8000004A  }
0x10: {  	[tilespmem:s7], [sflag:$0x5] =	stream.indirect.gather [hbm4b:s2+s6], $0x80, s3, s6, $0x2000b8;
	[tilespmem:$0x8100] =	vst v63  }
0x11: {  	s10 =	ssub.s32 $0x2, s10;
	_ =	swait.ge [sflag:s8], $0x4000  }
0x12: {  	s31 =	sshrl.u32 s10, $0x1;
	s11 =	sshll.u32 s11, $0x4;
	[sflag:s8] =	ssyncset.done $0x0  }
0x13: {  	s9 =	sadd.s32 s9, s11;
	s11 =	ssub.s32 s10, s31;
	[sflag:s8] =	ssyncadd.s32 $0xFFFFC000  }
0x14: {  	s11 =	smax.u32 s11, $0x1;
	_ =	strace $0x9000004A  }
0x15: {  	p0 =	sne.s32 s11, $0x1;
	_ =	strace $0x8000004B  }
0x16: {  	[hbm4b:s9+s3] =	stream.linear.scatter [tilespmem:s7], [sflag:$0x3], $0x4000, $0x200038;
	[tilespmem:$0x8100] =	vst v63  }
.Ltmp0:
0x17: {  	_ =	strace $0x9000004B;
	(pc) =	sbr.rel @!p0 .LBB2_2-.Ltmp0, $4  }
0x18: {  	s10 =	simm.s32 $0x3;
	_ =	strace $0x8000004C  }
0x19: {  	_ =	swait.ge [sflag:s10], $0x4000  }
0x1a: {  	[sflag:s10] =	ssyncset.done $0x0  }
0x1b: {  	s11 =	sadd.s32 $0xFFFFFFFF, s11;
	[sflag:s10] =	ssyncadd.s32 $0xFFFFC000  }
.LBB2_1:
0x1c: {  	p0 =	sne.s32 s11, $0x1;
	s11 =	sadd.s32 $0xFFFFFFFF, s11;
	_ =	strace $0x9000004C  }
0x1d: {  	_ =	strace $0x80000048  }
0x1e: {  	[tilespmem:s3], [sflag:$0x1] =	stream.linear.gather [hbm4b:s4+s3], $0x80, $0x200038;
	[tilespmem:$0x8100] =	vst v63  }
0x1f: {  	_ =	strace $0x90000048  }
0x20: {  	_ =	strace $0x80000049  }
0x21: {  	_ =	swait.ge [sflag:s5], $0x80  }
0x22: {  	[sflag:s5] =	ssyncset.done $0x0  }
0x23: {  	[sflag:s5] =	ssyncadd.s32 $0xFFFFFF80  }
0x24: {  	_ =	strace $0x90000049  }
0x25: {  	_ =	strace $0x8000004A  }
0x26: {  	[tilespmem:s7], [sflag:$0x5] =	stream.indirect.gather [hbm4b:s2+s6], $0x80, s3, s6, $0x2000b8;
	[tilespmem:$0x8100] =	vst v63  }
0x27: {  	_ =	swait.ge [sflag:s8], $0x4000  }
0x28: {  	[sflag:s8] =	ssyncset.done $0x0  }
0x29: {  	[sflag:s8] =	ssyncadd.s32 $0xFFFFC000  }
0x2a: {  	_ =	strace $0x9000004A  }
0x2b: {  	_ =	strace $0x8000004B  }
0x2c: {  	[hbm4b:s9+s3] =	stream.linear.scatter [tilespmem:s7], [sflag:$0x3], $0x4000, $0x200038;
	[tilespmem:$0x8100] =	vst v63  }
.Ltmp1:
0x2d: {  	_ =	strace $0x9000004B;
	(pc) =	sbr.rel @p0 .LBB2_1-.Ltmp1, $4  }
0x2e: {  	_ =	strace $0x8000004C  }
0x2f: {  	_ =	swait.ge [sflag:s10], $0x4000  }
0x30: {  	[sflag:s10] =	ssyncset.done $0x0  }
0x31: {  	[sflag:s10] =	ssyncadd.s32 $0xFFFFC000  }
.LBB2_2:
0x32: {  	_ =	strace $0x9000004C  }
0x33: {  	_ =	sfence.sel $0x180000  }
0x34: {  	[bflag:$0x0] =	sbarrier.arrive $0xFFFF  }
0x35: {  	p0 =	sne.s32 s1, $0x0;
	_ =	strace $0x90000047  }
0x36: {  	s0 =	sadd.s32 @!p0 $0x100000, s0;
	[bflag:$0x2] =	sbarrier.arrive $0xFFFF  }
0x37: {  	[sflag:s0] =	ssyncadd.tile.s32 @!p0 $0x1;
	_ =	shalt  }
.Lfunc_end2:
_tile_overlayer_lowered:
.L_overlay_start_2:
0x38: {  	(tag) =	ssettag $0x2  }
0x39: {  	s0 =	rddreg [dreg:$0x0];
	s2 =	stileid.u32  }
0x3a: {  	s1 =	rddreg [dreg:$0x1];
	p0 =	sne.s32 s2, $0x0  }
0x3b: {  	s3 =	rddreg [dreg:$0x2];
	[bflag:$0x3] =	sbarrier.arrive $0xFFFF;
	s2 =	simm.s32 @!p0 $0x1C01  }
0x3c: {  	[timem:s3], [sflag:s2] =	dma.local @!p0 [hbm:s0], s1  }
0x3d: {  	s0 =	simm.s32 @!p0 $0x1  }
0x3e: {  	_ =	swait.ge @!p0 [sflag:s0], s1  }
0x3f: {  	s1 =	ssub.s32 @!p0 $0x0, s1;
	[sflag:s0] =	ssyncset.done @!p0 $0x0  }
0x40: {  	[sflag:s0] =	ssyncadd.s32 @!p0 s1  }
0x41: {  	[bflag:$0x3] =	sbarrier.arrive $0xFFFF  }
0x42: {  	_ =	shalt  }

</sc_bundles>
